<compile_context>
chip_gen: v7x
topology: tpu7x:2x2x1
jax: 0.10.2.dev20260603
libtpu: 0.0.44.dev20260713+nightly
codegen_flags: <defaults>
</compile_context>

<pallas_src>
import functools

import jax
import jax.numpy as jnp
from jax import lax
from jax.experimental import pallas as pl
from jax.experimental.pallas import tpu as pltpu
from jax.experimental.pallas import tpu_sc as plsc

N_NODES = 10000
N_EDGES = 320000
D = 128

NC = 2
NS = 16
NW = NC * NS
E_PER_W = N_EDGES // NW
CHUNK = 40
N_PAIRS = E_PER_W // (2 * CHUNK)
L = 16

TAB_BITS = 13
TAB_N = 1 << TAB_BITS
OFS = float(1 << 17)


def _body(mem_hbm, lu_hbm, feat_hbm, ws_hbm, bs_hbm, ts_hbm, src_hbm,
          dst_hbm, ind_hbm, idx_hbm, tab_hbm, out_hbm,
          lu_v, tab_v, ws_v, bs_v, dt_v,
          src_v, dst_v, ind_v, idx_v,
          big_a, big_b,
          gsem_a0, gsem_a1, gsem_a2, wsem_a,
          gsem_b0, gsem_b1, gsem_b2, wsem_b):
    wid = lax.axis_index("s") * NC + lax.axis_index("c")
    base0 = wid * E_PER_W

    pltpu.sync_copy(lu_hbm, lu_v)
    pltpu.sync_copy(tab_hbm, tab_v)
    pltpu.sync_copy(ws_hbm, ws_v)
    pltpu.sync_copy(bs_hbm, bs_v)
    pltpu.sync_copy(ts_hbm.at[pl.ds(base0, E_PER_W)], dt_v)
    pltpu.sync_copy(src_hbm.at[pl.ds(base0, E_PER_W)], src_v)
    pltpu.sync_copy(dst_hbm.at[pl.ds(base0, E_PER_W)], dst_v)
    pltpu.sync_copy(ind_hbm.at[pl.ds(base0, E_PER_W)], ind_v)
    pltpu.sync_copy(idx_hbm.at[pl.ds(base0, E_PER_W)], idx_v)

    @plsc.parallel_loop(0, E_PER_W, step=L, unroll=4)
    def dt_body(o):
        t = plsc.load_gather(lu_v, [idx_v[pl.ds(o, L)]])
        dt_v[pl.ds(o, L)] = dt_v[pl.ds(o, L)] - t

    wjs = [ws_v[pl.ds(j * L, L)] for j in range(D // L)]
    bjs = [bs_v[pl.ds(j * L, L)] for j in range(D // L)]

    def g_descs(lo, big, sems):
        return (
            pltpu.make_async_copy(mem_hbm.at[src_v.at[pl.ds(lo, CHUNK)]],
                                  big.at[:, pl.ds(0, D)], sems[0]),
            pltpu.make_async_copy(mem_hbm.at[dst_v.at[pl.ds(lo, CHUNK)]],
                                  big.at[:, pl.ds(D, D)], sems[1]),
            pltpu.make_async_copy(feat_hbm.at[ind_v.at[pl.ds(lo, CHUNK)]],
                                  big.at[:, pl.ds(3 * D, D)], sems[2]),
        )

    def w_descs(lo, big, sem):
        base = base0 + lo
        return (
            pltpu.make_async_copy(big, out_hbm.at[pl.ds(base, CHUNK)], sem),
        )

    def start(descs):
        for cp in descs:
            cp.start()

    def wait(descs):
        for cp in descs:
            cp.wait()

    def compute(lo, big):
        @plsc.parallel_loop(0, CHUNK, unroll=2)
        def edge_body(le):
            dts = plsc.load_gather(dt_v, [jnp.full((L,), lo + le, jnp.int32)])
            for j in range(D // L):
                u = dts * wjs[j] + bjs[j]
                i = u.astype(jnp.int32) & (TAB_N - 1)
                big[le, pl.ds(2 * D + j * L, L)] = plsc.load_gather(tab_v, [i])

    gsems_a = (gsem_a0, gsem_a1, gsem_a2)
    gsems_b = (gsem_b0, gsem_b1, gsem_b2)

    start(g_descs(0, big_a, gsems_a))

    def pair_body(i, carry):
        lo_a = pl.multiple_of(i * (2 * CHUNK), 8)
        lo_b = pl.multiple_of(lo_a + CHUNK, 8)
        compute(lo_a, big_a)

        @pl.when(i > 0)
        def _():
            wait(w_descs(lo_a - CHUNK, big_b, wsem_b))

        start(g_descs(lo_b, big_b, gsems_b))
        wait(g_descs(lo_a, big_a, gsems_a))
        start(w_descs(lo_a, big_a, wsem_a))
        compute(lo_b, big_b)
        wait(w_descs(lo_a, big_a, wsem_a))

        @pl.when(i < N_PAIRS - 1)
        def _():
            start(g_descs(lo_a + 2 * CHUNK, big_a, gsems_a))

        wait(g_descs(lo_b, big_b, gsems_b))
        start(w_descs(lo_b, big_b, wsem_b))
        return carry

    lax.fori_loop(0, N_PAIRS, pair_body, 0)
    wait(w_descs(E_PER_W - CHUNK, big_b, wsem_b))


@jax.jit
def _run(memory, last_update, events_features, ws, bs, timestamps,
         src_nodes, dst_nodes, indices, idx, tab):
    mesh = plsc.VectorSubcoreMesh(core_axis_name="c", subcore_axis_name="s")
    f = functools.partial(
        pl.kernel,
        out_type=jax.ShapeDtypeStruct((N_EDGES, 4 * D), jnp.float32),
        mesh=mesh,
        compiler_params=pltpu.CompilerParams(needs_layout_passes=False),
        scratch_types=[
            pltpu.VMEM((N_NODES,), jnp.float32),
            pltpu.VMEM((TAB_N,), jnp.float32),
            pltpu.VMEM((D,), jnp.float32),
            pltpu.VMEM((D,), jnp.float32),
            pltpu.VMEM((E_PER_W,), jnp.float32),
            pltpu.VMEM((E_PER_W,), jnp.int32),
            pltpu.VMEM((E_PER_W,), jnp.int32),
            pltpu.VMEM((E_PER_W,), jnp.int32),
            pltpu.VMEM((E_PER_W,), jnp.int32),
            pltpu.VMEM((CHUNK, 4 * D), jnp.float32),
            pltpu.VMEM((CHUNK, 4 * D), jnp.float32),
            pltpu.SemaphoreType.DMA,
            pltpu.SemaphoreType.DMA,
            pltpu.SemaphoreType.DMA,
            pltpu.SemaphoreType.DMA,
            pltpu.SemaphoreType.DMA,
            pltpu.SemaphoreType.DMA,
            pltpu.SemaphoreType.DMA,
            pltpu.SemaphoreType.DMA,
        ],
    )(_body)
    return f(memory, last_update, events_features, ws, bs, timestamps,
             src_nodes, dst_nodes, indices, idx, tab)


def kernel(memory, last_update, events_features, time_w, time_b, timestamps,
           src_nodes, dst_nodes, indices, idx, rank):
    del rank
    scale = TAB_N / (2.0 * jnp.pi)
    ws = time_w.astype(jnp.float32) * scale
    bs = time_b.astype(jnp.float32) * scale + (OFS + 0.5)
    tab = jnp.cos(jnp.arange(TAB_N, dtype=jnp.float32) * (2.0 * jnp.pi / TAB_N))
    return _run(memory, last_update, events_features, ws, bs, timestamps,
                src_nodes, dst_nodes, indices, idx, tab)

# --- scband reference (transcript-rebuilt; emitter-appended) ---
"""Pipeline reference for scband-identity-message-function-55997783605362 (READ-ONLY COPY).

The authoritative reference and input builder live on the scoring server;
editing this copy changes nothing except your own understanding.
"""

import jax, jax.numpy as jnp
import numpy as np

N_NODES = 10000
N_EDGES = 320000
D_MEM = 128
D_TIME = 128
D_FEAT = 128


def setup_inputs(seed: int = 0) -> dict:
    key = jax.random.key(seed)
    ks = jax.random.split(key, 10)
    memory = jax.random.normal(ks[0], (N_NODES, D_MEM), dtype=jnp.float32)
    last_update = jax.random.uniform(ks[1], (N_NODES,), dtype=jnp.float32)
    events_features = jax.random.normal(ks[2], (N_EDGES, D_FEAT), dtype=jnp.float32)
    time_w = jax.random.normal(ks[3], (D_TIME,), dtype=jnp.float32)
    time_b = jax.random.normal(ks[4], (D_TIME,), dtype=jnp.float32)
    timestamps = jax.random.uniform(ks[5], (N_EDGES,), dtype=jnp.float32) + 1.0
    src_nodes = jax.random.randint(ks[6], (N_EDGES,), 0, N_NODES, dtype=jnp.int32)
    dst_nodes = jax.random.randint(ks[7], (N_EDGES,), 0, N_NODES, dtype=jnp.int32)
    indices = jax.random.randint(ks[8], (N_EDGES,), 0, N_EDGES, dtype=jnp.int32)
    idx = jax.random.randint(ks[9], (N_EDGES,), 0, N_NODES, dtype=jnp.int32)
    return {
        "memory": memory,
        "last_update": last_update,
        "events_features": events_features,
        "time_w": time_w,
        "time_b": time_b,
        "timestamps": timestamps,
        "src_nodes": src_nodes,
        "dst_nodes": dst_nodes,
        "indices": indices,
        "idx": idx,
        "rank": 0,
    }


def reference(memory, last_update, events_features, time_w, time_b, timestamps,
              src_nodes, dst_nodes, indices, idx, rank):
    # src_memory = state.n_memory.memory[events.src_nodes]
    src_memory = jnp.take(memory, src_nodes, axis=0)
    # dst_memory = state.n_memory.memory[events.dst_nodes]
    dst_memory = jnp.take(memory, dst_nodes, axis=0)
    # rank == 0 branch: t = state.n_memory.last_update[idx]
    # (rank != 0 would read c_memory.last_update; we model rank == 0)
    t = jnp.take(last_update, idx)
    # delta_t = self.time_encoder(events.timestamps - t)
    # TGN-style time encoder: cos(dt * w + b)
    dt = (timestamps - t)[:, None]
    delta_t = jnp.cos(dt * time_w[None, :] + time_b[None, :])
    # features = state.events_features[events.indices]
    features = jnp.take(events_features, indices, axis=0)
    return jnp.concatenate([src_memory, dst_memory, delta_t, features], axis=-1)

if __name__ == "__main__":
    import jax
    _d = setup_inputs()
    print(jax.jit(kernel)(*tuple(_d.values())))

</pallas_src>

<mosaic_0001>
#map = affine_map<(d0, d1) -> (0, 0)>
#map1 = affine_map<(d0, d1) -> (0)>
module attributes {stable_mosaic.version = 14 : i64} {
  func.func @_body(%arg0: i32, %arg1: i32, %arg2: memref<10000x128xf32, #tpu.memory_space<hbm>>, %arg3: memref<10000xf32, #tpu.memory_space<hbm>>, %arg4: memref<320000x128xf32, #tpu.memory_space<hbm>>, %arg5: memref<128xf32, #tpu.memory_space<hbm>>, %arg6: memref<128xf32, #tpu.memory_space<hbm>>, %arg7: memref<320000xf32, #tpu.memory_space<hbm>>, %arg8: memref<320000xi32, #tpu.memory_space<hbm>>, %arg9: memref<320000xi32, #tpu.memory_space<hbm>>, %arg10: memref<320000xi32, #tpu.memory_space<hbm>>, %arg11: memref<320000xi32, #tpu.memory_space<hbm>>, %arg12: memref<8192xf32, #tpu.memory_space<hbm>>, %arg13: memref<320000x512xf32, #tpu.memory_space<hbm>>, %arg14: memref<10000xf32, #tpu.memory_space<vmem>>, %arg15: memref<8192xf32, #tpu.memory_space<vmem>>, %arg16: memref<128xf32, #tpu.memory_space<vmem>>, %arg17: memref<128xf32, #tpu.memory_space<vmem>>, %arg18: memref<10000xf32, #tpu.memory_space<vmem>>, %arg19: memref<10000xi32, #tpu.memory_space<vmem>>, %arg20: memref<10000xi32, #tpu.memory_space<vmem>>, %arg21: memref<10000xi32, #tpu.memory_space<vmem>>, %arg22: memref<10000xi32, #tpu.memory_space<vmem>>, %arg23: memref<40x512xf32, #tpu.memory_space<vmem>>, %arg24: memref<40x512xf32, #tpu.memory_space<vmem>>, %arg25: memref<!tpu.dma_semaphore, #tpu.memory_space<semaphore_mem>>, %arg26: memref<!tpu.dma_semaphore, #tpu.memory_space<semaphore_mem>>, %arg27: memref<!tpu.dma_semaphore, #tpu.memory_space<semaphore_mem>>, %arg28: memref<!tpu.dma_semaphore, #tpu.memory_space<semaphore_mem>>, %arg29: memref<!tpu.dma_semaphore, #tpu.memory_space<semaphore_mem>>, %arg30: memref<!tpu.dma_semaphore, #tpu.memory_space<semaphore_mem>>, %arg31: memref<!tpu.dma_semaphore, #tpu.memory_space<semaphore_mem>>, %arg32: memref<!tpu.dma_semaphore, #tpu.memory_space<semaphore_mem>>) attributes {dimension_semantics = [#tpu.dimension_semantics<core_parallel>, #tpu.dimension_semantics<subcore_parallel>], iteration_bounds = array<i64: 2, 16>, scalar_prefetch = 0 : i64, scratch_operands = 19 : i64, tpu.core_type = #tpu.core_type<sc_vector_subcore>, window_params = [{transform_indices = #map}, {transform_indices = #map1}, {transform_indices = #map}, {transform_indices = #map1}, {transform_indices = #map1}, {transform_indices = #map1}, {transform_indices = #map1}, {transform_indices = #map1}, {transform_indices = #map1}, {transform_indices = #map1}, {transform_indices = #map1}, {transform_indices = #map}]} {
    %mul3A = arith.constant 2 : i32
    %mul3A_0 = arith.muli %arg1, %mul3A : i32
    %add3A = arith.addi %mul3A_0, %arg0 : i32
    %mul3A_1 = arith.constant 10000 : i32
    %mul3A_2 = arith.muli %add3A, %mul3A_1 : i32
    "tpu.region"() ({
      %run_scoped3A = tpu.sem_alloc : memref<!tpu.dma_semaphore, #tpu.memory_space<semaphore_mem>>
      tpu.enqueue_dma source(%arg3 : memref<10000xf32, #tpu.memory_space<hbm>>) target(%arg14 : memref<10000xf32, #tpu.memory_space<vmem>>) target_semaphore(%run_scoped3A : memref<!tpu.dma_semaphore, #tpu.memory_space<semaphore_mem>>)
      tpu.wait_dma2 semaphore(%run_scoped3A : memref<!tpu.dma_semaphore, #tpu.memory_space<semaphore_mem>>) src(%arg3 : memref<10000xf32, #tpu.memory_space<hbm>>) dst(%arg14 : memref<10000xf32, #tpu.memory_space<vmem>>)
      tpu.yield
    }) : () -> ()
    "tpu.region"() ({
      %run_scoped3A = tpu.sem_alloc : memref<!tpu.dma_semaphore, #tpu.memory_space<semaphore_mem>>
      tpu.enqueue_dma source(%arg12 : memref<8192xf32, #tpu.memory_space<hbm>>) target(%arg15 : memref<8192xf32, #tpu.memory_space<vmem>>) target_semaphore(%run_scoped3A : memref<!tpu.dma_semaphore, #tpu.memory_space<semaphore_mem>>)
      tpu.wait_dma2 semaphore(%run_scoped3A : memref<!tpu.dma_semaphore, #tpu.memory_space<semaphore_mem>>) src(%arg12 : memref<8192xf32, #tpu.memory_space<hbm>>) dst(%arg15 : memref<8192xf32, #tpu.memory_space<vmem>>)
      tpu.yield
    }) : () -> ()
    "tpu.region"() ({
      %run_scoped3A = tpu.sem_alloc : memref<!tpu.dma_semaphore, #tpu.memory_space<semaphore_mem>>
      tpu.enqueue_dma source(%arg5 : memref<128xf32, #tpu.memory_space<hbm>>) target(%arg16 : memref<128xf32, #tpu.memory_space<vmem>>) target_semaphore(%run_scoped3A : memref<!tpu.dma_semaphore, #tpu.memory_space<semaphore_mem>>)
      tpu.wait_dma2 semaphore(%run_scoped3A : memref<!tpu.dma_semaphore, #tpu.memory_space<semaphore_mem>>) src(%arg5 : memref<128xf32, #tpu.memory_space<hbm>>) dst(%arg16 : memref<128xf32, #tpu.memory_space<vmem>>)
      tpu.yield
    }) : () -> ()
    "tpu.region"() ({
      %run_scoped3A = tpu.sem_alloc : memref<!tpu.dma_semaphore, #tpu.memory_space<semaphore_mem>>
      tpu.enqueue_dma source(%arg6 : memref<128xf32, #tpu.memory_space<hbm>>) target(%arg17 : memref<128xf32, #tpu.memory_space<vmem>>) target_semaphore(%run_scoped3A : memref<!tpu.dma_semaphore, #tpu.memory_space<semaphore_mem>>)
      tpu.wait_dma2 semaphore(%run_scoped3A : memref<!tpu.dma_semaphore, #tpu.memory_space<semaphore_mem>>) src(%arg6 : memref<128xf32, #tpu.memory_space<hbm>>) dst(%arg17 : memref<128xf32, #tpu.memory_space<vmem>>)
      tpu.yield
    }) : () -> ()
    "tpu.region"() ({
      %run_scoped3A = tpu.sem_alloc : memref<!tpu.dma_semaphore, #tpu.memory_space<semaphore_mem>>
      %dma_start3A_69 = tpu.memref_slice %arg7[%mul3A_2] : memref<320000xf32, #tpu.memory_space<hbm>> -> memref<10000xf32, #tpu.memory_space<hbm>>
      %dma_start3A_70 = tpu.memref_slice %arg7[%mul3A_2] : memref<320000xf32, #tpu.memory_space<hbm>> -> memref<10000xf32, #tpu.memory_space<hbm>>
      tpu.enqueue_dma source(%dma_start3A_70 : memref<10000xf32, #tpu.memory_space<hbm>>) target(%arg18 : memref<10000xf32, #tpu.memory_space<vmem>>) target_semaphore(%run_scoped3A : memref<!tpu.dma_semaphore, #tpu.memory_space<semaphore_mem>>)
      %dma_wait3A_71 = tpu.memref_slice %arg7[%mul3A_2] : memref<320000xf32, #tpu.memory_space<hbm>> -> memref<10000xf32, #tpu.memory_space<hbm>>
      %dma_wait3A_72 = tpu.memref_slice %arg7[%mul3A_2] : memref<320000xf32, #tpu.memory_space<hbm>> -> memref<10000xf32, #tpu.memory_space<hbm>>
      tpu.wait_dma2 semaphore(%run_scoped3A : memref<!tpu.dma_semaphore, #tpu.memory_space<semaphore_mem>>) src(%dma_wait3A_72 : memref<10000xf32, #tpu.memory_space<hbm>>) dst(%arg18 : memref<10000xf32, #tpu.memory_space<vmem>>)
      tpu.yield
    }) : () -> ()
    "tpu.region"() ({
      %run_scoped3A = tpu.sem_alloc : memref<!tpu.dma_semaphore, #tpu.memory_space<semaphore_mem>>
      %dma_start3A_69 = tpu.memref_slice %arg8[%mul3A_2] : memref<320000xi32, #tpu.memory_space<hbm>> -> memref<10000xi32, #tpu.memory_space<hbm>>
      %dma_start3A_70 = tpu.memref_slice %arg8[%mul3A_2] : memref<320000xi32, #tpu.memory_space<hbm>> -> memref<10000xi32, #tpu.memory_space<hbm>>
      tpu.enqueue_dma source(%dma_start3A_70 : memref<10000xi32, #tpu.memory_space<hbm>>) target(%arg19 : memref<10000xi32, #tpu.memory_space<vmem>>) target_semaphore(%run_scoped3A : memref<!tpu.dma_semaphore, #tpu.memory_space<semaphore_mem>>)
      %dma_wait3A_71 = tpu.memref_slice %arg8[%mul3A_2] : memref<320000xi32, #tpu.memory_space<hbm>> -> memref<10000xi32, #tpu.memory_space<hbm>>
      %dma_wait3A_72 = tpu.memref_slice %arg8[%mul3A_2] : memref<320000xi32, #tpu.memory_space<hbm>> -> memref<10000xi32, #tpu.memory_space<hbm>>
      tpu.wait_dma2 semaphore(%run_scoped3A : memref<!tpu.dma_semaphore, #tpu.memory_space<semaphore_mem>>) src(%dma_wait3A_72 : memref<10000xi32, #tpu.memory_space<hbm>>) dst(%arg19 : memref<10000xi32, #tpu.memory_space<vmem>>)
      tpu.yield
    }) : () -> ()
    "tpu.region"() ({
      %run_scoped3A = tpu.sem_alloc : memref<!tpu.dma_semaphore, #tpu.memory_space<semaphore_mem>>
      %dma_start3A_69 = tpu.memref_slice %arg9[%mul3A_2] : memref<320000xi32, #tpu.memory_space<hbm>> -> memref<10000xi32, #tpu.memory_space<hbm>>
      %dma_start3A_70 = tpu.memref_slice %arg9[%mul3A_2] : memref<320000xi32, #tpu.memory_space<hbm>> -> memref<10000xi32, #tpu.memory_space<hbm>>
      tpu.enqueue_dma source(%dma_start3A_70 : memref<10000xi32, #tpu.memory_space<hbm>>) target(%arg20 : memref<10000xi32, #tpu.memory_space<vmem>>) target_semaphore(%run_scoped3A : memref<!tpu.dma_semaphore, #tpu.memory_space<semaphore_mem>>)
      %dma_wait3A_71 = tpu.memref_slice %arg9[%mul3A_2] : memref<320000xi32, #tpu.memory_space<hbm>> -> memref<10000xi32, #tpu.memory_space<hbm>>
      %dma_wait3A_72 = tpu.memref_slice %arg9[%mul3A_2] : memref<320000xi32, #tpu.memory_space<hbm>> -> memref<10000xi32, #tpu.memory_space<hbm>>
      tpu.wait_dma2 semaphore(%run_scoped3A : memref<!tpu.dma_semaphore, #tpu.memory_space<semaphore_mem>>) src(%dma_wait3A_72 : memref<10000xi32, #tpu.memory_space<hbm>>) dst(%arg20 : memref<10000xi32, #tpu.memory_space<vmem>>)
      tpu.yield
    }) : () -> ()
    "tpu.region"() ({
      %run_scoped3A = tpu.sem_alloc : memref<!tpu.dma_semaphore, #tpu.memory_space<semaphore_mem>>
      %dma_start3A_69 = tpu.memref_slice %arg10[%mul3A_2] : memref<320000xi32, #tpu.memory_space<hbm>> -> memref<10000xi32, #tpu.memory_space<hbm>>
      %dma_start3A_70 = tpu.memref_slice %arg10[%mul3A_2] : memref<320000xi32, #tpu.memory_space<hbm>> -> memref<10000xi32, #tpu.memory_space<hbm>>
      tpu.enqueue_dma source(%dma_start3A_70 : memref<10000xi32, #tpu.memory_space<hbm>>) target(%arg21 : memref<10000xi32, #tpu.memory_space<vmem>>) target_semaphore(%run_scoped3A : memref<!tpu.dma_semaphore, #tpu.memory_space<semaphore_mem>>)
      %dma_wait3A_71 = tpu.memref_slice %arg10[%mul3A_2] : memref<320000xi32, #tpu.memory_space<hbm>> -> memref<10000xi32, #tpu.memory_space<hbm>>
      %dma_wait3A_72 = tpu.memref_slice %arg10[%mul3A_2] : memref<320000xi32, #tpu.memory_space<hbm>> -> memref<10000xi32, #tpu.memory_space<hbm>>
      tpu.wait_dma2 semaphore(%run_scoped3A : memref<!tpu.dma_semaphore, #tpu.memory_space<semaphore_mem>>) src(%dma_wait3A_72 : memref<10000xi32, #tpu.memory_space<hbm>>) dst(%arg21 : memref<10000xi32, #tpu.memory_space<vmem>>)
      tpu.yield
    }) : () -> ()
    "tpu.region"() ({
      %run_scoped3A = tpu.sem_alloc : memref<!tpu.dma_semaphore, #tpu.memory_space<semaphore_mem>>
      %dma_start3A_69 = tpu.memref_slice %arg11[%mul3A_2] : memref<320000xi32, #tpu.memory_space<hbm>> -> memref<10000xi32, #tpu.memory_space<hbm>>
      %dma_start3A_70 = tpu.memref_slice %arg11[%mul3A_2] : memref<320000xi32, #tpu.memory_space<hbm>> -> memref<10000xi32, #tpu.memory_space<hbm>>
      tpu.enqueue_dma source(%dma_start3A_70 : memref<10000xi32, #tpu.memory_space<hbm>>) target(%arg22 : memref<10000xi32, #tpu.memory_space<vmem>>) target_semaphore(%run_scoped3A : memref<!tpu.dma_semaphore, #tpu.memory_space<semaphore_mem>>)
      %dma_wait3A_71 = tpu.memref_slice %arg11[%mul3A_2] : memref<320000xi32, #tpu.memory_space<hbm>> -> memref<10000xi32, #tpu.memory_space<hbm>>
      %dma_wait3A_72 = tpu.memref_slice %arg11[%mul3A_2] : memref<320000xi32, #tpu.memory_space<hbm>> -> memref<10000xi32, #tpu.memory_space<hbm>>
      tpu.wait_dma2 semaphore(%run_scoped3A : memref<!tpu.dma_semaphore, #tpu.memory_space<semaphore_mem>>) src(%dma_wait3A_72 : memref<10000xi32, #tpu.memory_space<hbm>>) dst(%arg22 : memref<10000xi32, #tpu.memory_space<vmem>>)
      tpu.yield
    }) : () -> ()
    %parallel_loop3A = arith.constant 0 : i32
    %parallel_loop3A_3 = arith.constant 10000 : i32
    %parallel_loop3A_4 = arith.constant 16 : i32
    scf.for %parallel_loop3A_69 = %parallel_loop3A to %parallel_loop3A_3 step %parallel_loop3A_4  : i32 {
      %parallel_loop3A_70 = arith.index_cast %parallel_loop3A_69 : i32 to index
      %parallel_loop3A_71 = tpu.vector_load %arg22[%parallel_loop3A_70] {strides = array<i32>} : memref<10000xi32, #tpu.memory_space<vmem>>, vector<16xi32>,
      %parallel_loop3A_72 = tpu.vector_load_idx %arg14[%parallel_loop3A_71] : memref<10000xf32, #tpu.memory_space<vmem>>[vector<16xi32>], vector<16xf32>,
      %parallel_loop3A_73 = arith.index_cast %parallel_loop3A_69 : i32 to index
      %parallel_loop3A_74 = tpu.vector_load %arg18[%parallel_loop3A_73] {strides = array<i32>} : memref<10000xf32, #tpu.memory_space<vmem>>, vector<16xf32>,
      %parallel_loop3A_75 = arith.subf %parallel_loop3A_74, %parallel_loop3A_72 : vector<16xf32>
      %parallel_loop3A_76 = arith.index_cast %parallel_loop3A_69 : i32 to index
      %parallel_loop3A_77 = tpu.vector_load %arg18[%parallel_loop3A_76] {strides = array<i32>} : memref<10000xf32, #tpu.memory_space<vmem>>, vector<16xf32>,
      tpu.vector_store %arg18[%parallel_loop3A_76], %parallel_loop3A_75 {strides = array<i32>} : memref<10000xf32, #tpu.memory_space<vmem>>, vector<16xf32>,
    } {sc.loop_unroll_factor = 4 : i64, sc.parallel_access}
    %get3A = arith.constant 0 : index
    %get3A_5 = tpu.vector_load %arg16[%get3A] {strides = array<i32>} : memref<128xf32, #tpu.memory_space<vmem>>, vector<16xf32>,
    %get3A_6 = arith.constant 16 : index
    %get3A_7 = tpu.vector_load %arg16[%get3A_6] {strides = array<i32>} : memref<128xf32, #tpu.memory_space<vmem>>, vector<16xf32>,
    %get3A_8 = arith.constant 32 : index
    %get3A_9 = tpu.vector_load %arg16[%get3A_8] {strides = array<i32>} : memref<128xf32, #tpu.memory_space<vmem>>, vector<16xf32>,
    %get3A_10 = arith.constant 48 : index
    %get3A_11 = tpu.vector_load %arg16[%get3A_10] {strides = array<i32>} : memref<128xf32, #tpu.memory_space<vmem>>, vector<16xf32>,
    %get3A_12 = arith.constant 64 : index
    %get3A_13 = tpu.vector_load %arg16[%get3A_12] {strides = array<i32>} : memref<128xf32, #tpu.memory_space<vmem>>, vector<16xf32>,
    %get3A_14 = arith.constant 80 : index
    %get3A_15 = tpu.vector_load %arg16[%get3A_14] {strides = array<i32>} : memref<128xf32, #tpu.memory_space<vmem>>, vector<16xf32>,
    %get3A_16 = arith.constant 96 : index
    %get3A_17 = tpu.vector_load %arg16[%get3A_16] {strides = array<i32>} : memref<128xf32, #tpu.memory_space<vmem>>, vector<16xf32>,
    %get3A_18 = arith.constant 112 : index
    %get3A_19 = tpu.vector_load %arg16[%get3A_18] {strides = array<i32>} : memref<128xf32, #tpu.memory_space<vmem>>, vector<16xf32>,
    %get3A_20 = arith.constant 0 : index
    %get3A_21 = tpu.vector_load %arg17[%get3A_20] {strides = array<i32>} : memref<128xf32, #tpu.memory_space<vmem>>, vector<16xf32>,
    %get3A_22 = arith.constant 16 : index
    %get3A_23 = tpu.vector_load %arg17[%get3A_22] {strides = array<i32>} : memref<128xf32, #tpu.memory_space<vmem>>, vector<16xf32>,
    %get3A_24 = arith.constant 32 : index
    %get3A_25 = tpu.vector_load %arg17[%get3A_24] {strides = array<i32>} : memref<128xf32, #tpu.memory_space<vmem>>, vector<16xf32>,
    %get3A_26 = arith.constant 48 : index
    %get3A_27 = tpu.vector_load %arg17[%get3A_26] {strides = array<i32>} : memref<128xf32, #tpu.memory_space<vmem>>, vector<16xf32>,
    %get3A_28 = arith.constant 64 : index
    %get3A_29 = tpu.vector_load %arg17[%get3A_28] {strides = array<i32>} : memref<128xf32, #tpu.memory_space<vmem>>, vector<16xf32>,
    %get3A_30 = arith.constant 80 : index
    %get3A_31 = tpu.vector_load %arg17[%get3A_30] {strides = array<i32>} : memref<128xf32, #tpu.memory_space<vmem>>, vector<16xf32>,
    %get3A_32 = arith.constant 96 : index
    %get3A_33 = tpu.vector_load %arg17[%get3A_32] {strides = array<i32>} : memref<128xf32, #tpu.memory_space<vmem>>, vector<16xf32>,
    %get3A_34 = arith.constant 112 : index
    %get3A_35 = tpu.vector_load %arg17[%get3A_34] {strides = array<i32>} : memref<128xf32, #tpu.memory_space<vmem>>, vector<16xf32>,
    %dma_start3A = arith.constant 0 : i32
    %dma_start3A_36 = arith.constant 0 : i32
    %dma_start3A_37 = tpu.memref_slice %arg23[%dma_start3A, %dma_start3A_36] : memref<40x512xf32, #tpu.memory_space<vmem>> -> memref<40x128xf32, #tpu.memory_space<vmem>>
    %dma_start3A_38 = arith.constant 0 : i32
    %dma_start3A_39 = tpu.memref_slice %arg19[%dma_start3A_38] : memref<10000xi32, #tpu.memory_space<vmem>> -> memref<40xi32, #tpu.memory_space<vmem>>
    %dma_start3A_40 = arith.constant 0 : i32
    %dma_start3A_41 = arith.constant 0 : i32
    %dma_start3A_42 = tpu.memref_slice %arg2[%dma_start3A_40, %dma_start3A_41] : memref<10000x128xf32, #tpu.memory_space<hbm>> -> memref<10000x128xf32, #tpu.memory_space<hbm>>
    tpu.enqueue_indirect_dma source(%dma_start3A_42 : memref<10000x128xf32, #tpu.memory_space<hbm>>) target(%dma_start3A_37 : memref<40x128xf32, #tpu.memory_space<vmem>>) offsets(%dma_start3A_39 : memref<40xi32, #tpu.memory_space<vmem>>) semaphore(%arg25 : memref<!tpu.dma_semaphore, #tpu.memory_space<semaphore_mem>>)
    %dma_start3A_43 = arith.constant 0 : i32
    %dma_start3A_44 = arith.constant 128 : i32
    %dma_start3A_45 = tpu.memref_slice %arg23[%dma_start3A_43, %dma_start3A_44] : memref<40x512xf32, #tpu.memory_space<vmem>> -> memref<40x128xf32, #tpu.memory_space<vmem>>
    %dma_start3A_46 = arith.constant 0 : i32
    %dma_start3A_47 = tpu.memref_slice %arg20[%dma_start3A_46] : memref<10000xi32, #tpu.memory_space<vmem>> -> memref<40xi32, #tpu.memory_space<vmem>>
    %dma_start3A_48 = arith.constant 0 : i32
    %dma_start3A_49 = arith.constant 0 : i32
    %dma_start3A_50 = tpu.memref_slice %arg2[%dma_start3A_48, %dma_start3A_49] : memref<10000x128xf32, #tpu.memory_space<hbm>> -> memref<10000x128xf32, #tpu.memory_space<hbm>>
    tpu.enqueue_indirect_dma source(%dma_start3A_50 : memref<10000x128xf32, #tpu.memory_space<hbm>>) target(%dma_start3A_45 : memref<40x128xf32, #tpu.memory_space<vmem>>) offsets(%dma_start3A_47 : memref<40xi32, #tpu.memory_space<vmem>>) semaphore(%arg26 : memref<!tpu.dma_semaphore, #tpu.memory_space<semaphore_mem>>)
    %dma_start3A_51 = arith.constant 0 : i32
    %dma_start3A_52 = arith.constant 384 : i32
    %dma_start3A_53 = tpu.memref_slice %arg23[%dma_start3A_51, %dma_start3A_52] : memref<40x512xf32, #tpu.memory_space<vmem>> -> memref<40x128xf32, #tpu.memory_space<vmem>>
    %dma_start3A_54 = arith.constant 0 : i32
    %dma_start3A_55 = tpu.memref_slice %arg21[%dma_start3A_54] : memref<10000xi32, #tpu.memory_space<vmem>> -> memref<40xi32, #tpu.memory_space<vmem>>
    %dma_start3A_56 = arith.constant 0 : i32
    %dma_start3A_57 = arith.constant 0 : i32
    %dma_start3A_58 = tpu.memref_slice %arg4[%dma_start3A_56, %dma_start3A_57] : memref<320000x128xf32, #tpu.memory_space<hbm>> -> memref<320000x128xf32, #tpu.memory_space<hbm>>
    tpu.enqueue_indirect_dma source(%dma_start3A_58 : memref<320000x128xf32, #tpu.memory_space<hbm>>) target(%dma_start3A_53 : memref<40x128xf32, #tpu.memory_space<vmem>>) offsets(%dma_start3A_55 : memref<40xi32, #tpu.memory_space<vmem>>) semaphore(%arg27 : memref<!tpu.dma_semaphore, #tpu.memory_space<semaphore_mem>>)
    %scan3A = arith.constant 0 : i32
    %scan3A_59 = arith.constant 0 : i32
    %scan3A_60 = arith.constant 125 : i32
    %scan3A_61 = arith.addi %scan3A_59, %scan3A_60 : i32
    %scan3A_62 = arith.constant 1 : i32
    scf.for %scan3A_69 = %scan3A_59 to %scan3A_61 step %scan3A_62  : i32 {
      %mul3A_70 = arith.constant 80 : i32
      %mul3A_71 = arith.muli %scan3A_69, %mul3A_70 : i32
      %multiple_of3A = tpu.assume_multiple %mul3A_71, 8 : i32
      %add3A_72 = arith.constant 40 : i32
      %add3A_73 = arith.addi %multiple_of3A, %add3A_72 : i32
      %multiple_of3A_74 = tpu.assume_multiple %add3A_73, 8 : i32
      %parallel_loop3A_75 = arith.constant 0 : i32
      %parallel_loop3A_76 = arith.constant 40 : i32
      %parallel_loop3A_77 = arith.constant 1 : i32
      scf.for %parallel_loop3A_165 = %parallel_loop3A_75 to %parallel_loop3A_76 step %parallel_loop3A_77  : i32 {
        %parallel_loop3A_166 = arith.addi %multiple_of3A, %parallel_loop3A_165 : i32
        %parallel_loop3A_167 = vector.broadcast %parallel_loop3A_166 : i32 to vector<16xi32>
        %parallel_loop3A_168 = tpu.vector_load_idx %arg18[%parallel_loop3A_167] : memref<10000xf32, #tpu.memory_space<vmem>>[vector<16xi32>], vector<16xf32>,
        %parallel_loop3A_169 = arith.mulf %parallel_loop3A_168, %get3A_5 : vector<16xf32>
        %parallel_loop3A_170 = arith.addf %parallel_loop3A_169, %get3A_21 : vector<16xf32>
        %parallel_loop3A_171 = arith.fptosi %parallel_loop3A_170 : vector<16xf32> to vector<16xi32>
        %parallel_loop3A_172 = arith.constant 8191 : i32
        %parallel_loop3A_173 = vector.broadcast %parallel_loop3A_172 : i32 to vector<16xi32>
        %parallel_loop3A_174 = arith.andi %parallel_loop3A_171, %parallel_loop3A_173 : vector<16xi32>
        %parallel_loop3A_175 = tpu.vector_load_idx %arg15[%parallel_loop3A_174] : memref<8192xf32, #tpu.memory_space<vmem>>[vector<16xi32>], vector<16xf32>,
        %parallel_loop3A_176 = arith.index_cast %parallel_loop3A_165 : i32 to index
        %parallel_loop3A_177 = arith.constant 256 : index
        %parallel_loop3A_178 = tpu.vector_load %arg23[%parallel_loop3A_176, %parallel_loop3A_177] {strides = array<i32>} : memref<40x512xf32, #tpu.memory_space<vmem>>, vector<16xf32>,
        tpu.vector_store %arg23[%parallel_loop3A_176, %parallel_loop3A_177], %parallel_loop3A_175 {strides = array<i32>} : memref<40x512xf32, #tpu.memory_space<vmem>>, vector<16xf32>,
        %parallel_loop3A_179 = arith.mulf %parallel_loop3A_168, %get3A_7 : vector<16xf32>
        %parallel_loop3A_180 = arith.addf %parallel_loop3A_179, %get3A_23 : vector<16xf32>
        %parallel_loop3A_181 = arith.fptosi %parallel_loop3A_180 : vector<16xf32> to vector<16xi32>
        %parallel_loop3A_182 = arith.constant 8191 : i32
        %parallel_loop3A_183 = vector.broadcast %parallel_loop3A_182 : i32 to vector<16xi32>
        %parallel_loop3A_184 = arith.andi %parallel_loop3A_181, %parallel_loop3A_183 : vector<16xi32>
        %parallel_loop3A_185 = tpu.vector_load_idx %arg15[%parallel_loop3A_184] : memref<8192xf32, #tpu.memory_space<vmem>>[vector<16xi32>], vector<16xf32>,
        %parallel_loop3A_186 = arith.index_cast %parallel_loop3A_165 : i32 to index
        %parallel_loop3A_187 = arith.constant 272 : index
        %parallel_loop3A_188 = tpu.vector_load %arg23[%parallel_loop3A_186, %parallel_loop3A_187] {strides = array<i32>} : memref<40x512xf32, #tpu.memory_space<vmem>>, vector<16xf32>,
        tpu.vector_store %arg23[%parallel_loop3A_186, %parallel_loop3A_187], %parallel_loop3A_185 {strides = array<i32>} : memref<40x512xf32, #tpu.memory_space<vmem>>, vector<16xf32>,
        %parallel_loop3A_189 = arith.mulf %parallel_loop3A_168, %get3A_9 : vector<16xf32>
        %parallel_loop3A_190 = arith.addf %parallel_loop3A_189, %get3A_25 : vector<16xf32>
        %parallel_loop3A_191 = arith.fptosi %parallel_loop3A_190 : vector<16xf32> to vector<16xi32>
        %parallel_loop3A_192 = arith.constant 8191 : i32
        %parallel_loop3A_193 = vector.broadcast %parallel_loop3A_192 : i32 to vector<16xi32>
        %parallel_loop3A_194 = arith.andi %parallel_loop3A_191, %parallel_loop3A_193 : vector<16xi32>
        %parallel_loop3A_195 = tpu.vector_load_idx %arg15[%parallel_loop3A_194] : memref<8192xf32, #tpu.memory_space<vmem>>[vector<16xi32>], vector<16xf32>,
        %parallel_loop3A_196 = arith.index_cast %parallel_loop3A_165 : i32 to index
        %parallel_loop3A_197 = arith.constant 288 : index
        %parallel_loop3A_198 = tpu.vector_load %arg23[%parallel_loop3A_196, %parallel_loop3A_197] {strides = array<i32>} : memref<40x512xf32, #tpu.memory_space<vmem>>, vector<16xf32>,
        tpu.vector_store %arg23[%parallel_loop3A_196, %parallel_loop3A_197], %parallel_loop3A_195 {strides = array<i32>} : memref<40x512xf32, #tpu.memory_space<vmem>>, vector<16xf32>,
        %parallel_loop3A_199 = arith.mulf %parallel_loop3A_168, %get3A_11 : vector<16xf32>
        %parallel_loop3A_200 = arith.addf %parallel_loop3A_199, %get3A_27 : vector<16xf32>
        %parallel_loop3A_201 = arith.fptosi %parallel_loop3A_200 : vector<16xf32> to vector<16xi32>
        %parallel_loop3A_202 = arith.constant 8191 : i32
        %parallel_loop3A_203 = vector.broadcast %parallel_loop3A_202 : i32 to vector<16xi32>
        %parallel_loop3A_204 = arith.andi %parallel_loop3A_201, %parallel_loop3A_203 : vector<16xi32>
        %parallel_loop3A_205 = tpu.vector_load_idx %arg15[%parallel_loop3A_204] : memref<8192xf32, #tpu.memory_space<vmem>>[vector<16xi32>], vector<16xf32>,
        %parallel_loop3A_206 = arith.index_cast %parallel_loop3A_165 : i32 to index
        %parallel_loop3A_207 = arith.constant 304 : index
        %parallel_loop3A_208 = tpu.vector_load %arg23[%parallel_loop3A_206, %parallel_loop3A_207] {strides = array<i32>} : memref<40x512xf32, #tpu.memory_space<vmem>>, vector<16xf32>,
        tpu.vector_store %arg23[%parallel_loop3A_206, %parallel_loop3A_207], %parallel_loop3A_205 {strides = array<i32>} : memref<40x512xf32, #tpu.memory_space<vmem>>, vector<16xf32>,
        %parallel_loop3A_209 = arith.mulf %parallel_loop3A_168, %get3A_13 : vector<16xf32>
        %parallel_loop3A_210 = arith.addf %parallel_loop3A_209, %get3A_29 : vector<16xf32>
        %parallel_loop3A_211 = arith.fptosi %parallel_loop3A_210 : vector<16xf32> to vector<16xi32>
        %parallel_loop3A_212 = arith.constant 8191 : i32
        %parallel_loop3A_213 = vector.broadcast %parallel_loop3A_212 : i32 to vector<16xi32>
        %parallel_loop3A_214 = arith.andi %parallel_loop3A_211, %parallel_loop3A_213 : vector<16xi32>
        %parallel_loop3A_215 = tpu.vector_load_idx %arg15[%parallel_loop3A_214] : memref<8192xf32, #tpu.memory_space<vmem>>[vector<16xi32>], vector<16xf32>,
        %parallel_loop3A_216 = arith.index_cast %parallel_loop3A_165 : i32 to index
        %parallel_loop3A_217 = arith.constant 320 : index
        %parallel_loop3A_218 = tpu.vector_load %arg23[%parallel_loop3A_216, %parallel_loop3A_217] {strides = array<i32>} : memref<40x512xf32, #tpu.memory_space<vmem>>, vector<16xf32>,
        tpu.vector_store %arg23[%parallel_loop3A_216, %parallel_loop3A_217], %parallel_loop3A_215 {strides = array<i32>} : memref<40x512xf32, #tpu.memory_space<vmem>>, vector<16xf32>,
        %parallel_loop3A_219 = arith.mulf %parallel_loop3A_168, %get3A_15 : vector<16xf32>
        %parallel_loop3A_220 = arith.addf %parallel_loop3A_219, %get3A_31 : vector<16xf32>
        %parallel_loop3A_221 = arith.fptosi %parallel_loop3A_220 : vector<16xf32> to vector<16xi32>
        %parallel_loop3A_222 = arith.constant 8191 : i32
        %parallel_loop3A_223 = vector.broadcast %parallel_loop3A_222 : i32 to vector<16xi32>
        %parallel_loop3A_224 = arith.andi %parallel_loop3A_221, %parallel_loop3A_223 : vector<16xi32>
        %parallel_loop3A_225 = tpu.vector_load_idx %arg15[%parallel_loop3A_224] : memref<8192xf32, #tpu.memory_space<vmem>>[vector<16xi32>], vector<16xf32>,
        %parallel_loop3A_226 = arith.index_cast %parallel_loop3A_165 : i32 to index
        %parallel_loop3A_227 = arith.constant 336 : index
        %parallel_loop3A_228 = tpu.vector_load %arg23[%parallel_loop3A_226, %parallel_loop3A_227] {strides = array<i32>} : memref<40x512xf32, #tpu.memory_space<vmem>>, vector<16xf32>,
        tpu.vector_store %arg23[%parallel_loop3A_226, %parallel_loop3A_227], %parallel_loop3A_225 {strides = array<i32>} : memref<40x512xf32, #tpu.memory_space<vmem>>, vector<16xf32>,
        %parallel_loop3A_229 = arith.mulf %parallel_loop3A_168, %get3A_17 : vector<16xf32>
        %parallel_loop3A_230 = arith.addf %parallel_loop3A_229, %get3A_33 : vector<16xf32>
        %parallel_loop3A_231 = arith.fptosi %parallel_loop3A_230 : vector<16xf32> to vector<16xi32>
        %parallel_loop3A_232 = arith.constant 8191 : i32
        %parallel_loop3A_233 = vector.broadcast %parallel_loop3A_232 : i32 to vector<16xi32>
        %parallel_loop3A_234 = arith.andi %parallel_loop3A_231, %parallel_loop3A_233 : vector<16xi32>
        %parallel_loop3A_235 = tpu.vector_load_idx %arg15[%parallel_loop3A_234] : memref<8192xf32, #tpu.memory_space<vmem>>[vector<16xi32>], vector<16xf32>,
        %parallel_loop3A_236 = arith.index_cast %parallel_loop3A_165 : i32 to index
        %parallel_loop3A_237 = arith.constant 352 : index
        %parallel_loop3A_238 = tpu.vector_load %arg23[%parallel_loop3A_236, %parallel_loop3A_237] {strides = array<i32>} : memref<40x512xf32, #tpu.memory_space<vmem>>, vector<16xf32>,
        tpu.vector_store %arg23[%parallel_loop3A_236, %parallel_loop3A_237], %parallel_loop3A_235 {strides = array<i32>} : memref<40x512xf32, #tpu.memory_space<vmem>>, vector<16xf32>,
        %parallel_loop3A_239 = arith.mulf %parallel_loop3A_168, %get3A_19 : vector<16xf32>
        %parallel_loop3A_240 = arith.addf %parallel_loop3A_239, %get3A_35 : vector<16xf32>
        %parallel_loop3A_241 = arith.fptosi %parallel_loop3A_240 : vector<16xf32> to vector<16xi32>
        %parallel_loop3A_242 = arith.constant 8191 : i32
        %parallel_loop3A_243 = vector.broadcast %parallel_loop3A_242 : i32 to vector<16xi32>
        %parallel_loop3A_244 = arith.andi %parallel_loop3A_241, %parallel_loop3A_243 : vector<16xi32>
        %parallel_loop3A_245 = tpu.vector_load_idx %arg15[%parallel_loop3A_244] : memref<8192xf32, #tpu.memory_space<vmem>>[vector<16xi32>], vector<16xf32>,
        %parallel_loop3A_246 = arith.index_cast %parallel_loop3A_165 : i32 to index
        %parallel_loop3A_247 = arith.constant 368 : index
        %parallel_loop3A_248 = tpu.vector_load %arg23[%parallel_loop3A_246, %parallel_loop3A_247] {strides = array<i32>} : memref<40x512xf32, #tpu.memory_space<vmem>>, vector<16xf32>,
        tpu.vector_store %arg23[%parallel_loop3A_246, %parallel_loop3A_247], %parallel_loop3A_245 {strides = array<i32>} : memref<40x512xf32, #tpu.memory_space<vmem>>, vector<16xf32>,
      } {sc.loop_unroll_factor = 2 : i64, sc.parallel_access}
      %gt3A = arith.constant 0 : i32
      %gt3A_78 = arith.cmpi sgt, %scan3A_69, %gt3A : i32
      %convert_element_type3A = arith.extui %gt3A_78 : i1 to i32
      %cond3A = arith.constant 0 : i32
      %cond3A_79 = arith.cmpi ne, %convert_element_type3A, %cond3A : i32
      scf.if %cond3A_79 {
        %sub3A = arith.constant 40 : i32
        %sub3A_165 = arith.subi %multiple_of3A, %sub3A : i32
        %add3A_166 = arith.addi %mul3A_2, %sub3A_165 : i32
        %dma_wait3A_167 = arith.constant 0 : i32
        %dma_wait3A_168 = tpu.memref_slice %arg13[%add3A_166, %dma_wait3A_167] : memref<320000x512xf32, #tpu.memory_space<hbm>> -> memref<40x512xf32, #tpu.memory_space<hbm>>
        %dma_wait3A_169 = arith.constant 0 : i32
        %dma_wait3A_170 = tpu.memref_slice %arg13[%add3A_166, %dma_wait3A_169] : memref<320000x512xf32, #tpu.memory_space<hbm>> -> memref<40x512xf32, #tpu.memory_space<hbm>>
        tpu.wait_dma2 semaphore(%arg32 : memref<!tpu.dma_semaphore, #tpu.memory_space<semaphore_mem>>) src(%arg24 : memref<40x512xf32, #tpu.memory_space<vmem>>) dst(%dma_wait3A_170 : memref<40x512xf32, #tpu.memory_space<hbm>>)
      } else {
      }
      %dma_start3A_80 = arith.constant 0 : i32
      %dma_start3A_81 = arith.constant 0 : i32
      %dma_start3A_82 = tpu.memref_slice %arg24[%dma_start3A_80, %dma_start3A_81] : memref<40x512xf32, #tpu.memory_space<vmem>> -> memref<40x128xf32, #tpu.memory_space<vmem>>
      %dma_start3A_83 = tpu.memref_slice %arg19[%multiple_of3A_74] : memref<10000xi32, #tpu.memory_space<vmem>> -> memref<40xi32, #tpu.memory_space<vmem>>
      %dma_start3A_84 = arith.constant 0 : i32
      %dma_start3A_85 = arith.constant 0 : i32
      %dma_start3A_86 = tpu.memref_slice %arg2[%dma_start3A_84, %dma_start3A_85] : memref<10000x128xf32, #tpu.memory_space<hbm>> -> memref<10000x128xf32, #tpu.memory_space<hbm>>
      tpu.enqueue_indirect_dma source(%dma_start3A_86 : memref<10000x128xf32, #tpu.memory_space<hbm>>) target(%dma_start3A_82 : memref<40x128xf32, #tpu.memory_space<vmem>>) offsets(%dma_start3A_83 : memref<40xi32, #tpu.memory_space<vmem>>) semaphore(%arg29 : memref<!tpu.dma_semaphore, #tpu.memory_space<semaphore_mem>>)
      %dma_start3A_87 = arith.constant 0 : i32
      %dma_start3A_88 = arith.constant 128 : i32
      %dma_start3A_89 = tpu.memref_slice %arg24[%dma_start3A_87, %dma_start3A_88] : memref<40x512xf32, #tpu.memory_space<vmem>> -> memref<40x128xf32, #tpu.memory_space<vmem>>
      %dma_start3A_90 = tpu.memref_slice %arg20[%multiple_of3A_74] : memref<10000xi32, #tpu.memory_space<vmem>> -> memref<40xi32, #tpu.memory_space<vmem>>
      %dma_start3A_91 = arith.constant 0 : i32
      %dma_start3A_92 = arith.constant 0 : i32
      %dma_start3A_93 = tpu.memref_slice %arg2[%dma_start3A_91, %dma_start3A_92] : memref<10000x128xf32, #tpu.memory_space<hbm>> -> memref<10000x128xf32, #tpu.memory_space<hbm>>
      tpu.enqueue_indirect_dma source(%dma_start3A_93 : memref<10000x128xf32, #tpu.memory_space<hbm>>) target(%dma_start3A_89 : memref<40x128xf32, #tpu.memory_space<vmem>>) offsets(%dma_start3A_90 : memref<40xi32, #tpu.memory_space<vmem>>) semaphore(%arg30 : memref<!tpu.dma_semaphore, #tpu.memory_space<semaphore_mem>>)
      %dma_start3A_94 = arith.constant 0 : i32
      %dma_start3A_95 = arith.constant 384 : i32
      %dma_start3A_96 = tpu.memref_slice %arg24[%dma_start3A_94, %dma_start3A_95] : memref<40x512xf32, #tpu.memory_space<vmem>> -> memref<40x128xf32, #tpu.memory_space<vmem>>
      %dma_start3A_97 = tpu.memref_slice %arg21[%multiple_of3A_74] : memref<10000xi32, #tpu.memory_space<vmem>> -> memref<40xi32, #tpu.memory_space<vmem>>
      %dma_start3A_98 = arith.constant 0 : i32
      %dma_start3A_99 = arith.constant 0 : i32
      %dma_start3A_100 = tpu.memref_slice %arg4[%dma_start3A_98, %dma_start3A_99] : memref<320000x128xf32, #tpu.memory_space<hbm>> -> memref<320000x128xf32, #tpu.memory_space<hbm>>
      tpu.enqueue_indirect_dma source(%dma_start3A_100 : memref<320000x128xf32, #tpu.memory_space<hbm>>) target(%dma_start3A_96 : memref<40x128xf32, #tpu.memory_space<vmem>>) offsets(%dma_start3A_97 : memref<40xi32, #tpu.memory_space<vmem>>) semaphore(%arg31 : memref<!tpu.dma_semaphore, #tpu.memory_space<semaphore_mem>>)
      %dma_wait3A_101 = arith.constant 0 : i32
      %dma_wait3A_102 = arith.constant 0 : i32
      %dma_wait3A_103 = tpu.memref_slice %arg23[%dma_wait3A_101, %dma_wait3A_102] : memref<40x512xf32, #tpu.memory_space<vmem>> -> memref<40x128xf32, #tpu.memory_space<vmem>>
      %dma_wait3A_104 = tpu.memref_slice %arg19[%multiple_of3A] : memref<10000xi32, #tpu.memory_space<vmem>> -> memref<40xi32, #tpu.memory_space<vmem>>
      %dma_wait3A_105 = arith.constant 0 : i32
      %dma_wait3A_106 = arith.constant 0 : i32
      %dma_wait3A_107 = tpu.memref_slice %arg2[%dma_wait3A_105, %dma_wait3A_106] : memref<10000x128xf32, #tpu.memory_space<hbm>> -> memref<10000x128xf32, #tpu.memory_space<hbm>>
      tpu.wait_indirect_dma semaphore(%arg25 : memref<!tpu.dma_semaphore, #tpu.memory_space<semaphore_mem>>) src(%dma_wait3A_107 : memref<10000x128xf32, #tpu.memory_space<hbm>>) dst(%dma_wait3A_103 : memref<40x128xf32, #tpu.memory_space<vmem>>)
      %dma_wait3A_108 = arith.constant 0 : i32
      %dma_wait3A_109 = arith.constant 128 : i32
      %dma_wait3A_110 = tpu.memref_slice %arg23[%dma_wait3A_108, %dma_wait3A_109] : memref<40x512xf32, #tpu.memory_space<vmem>> -> memref<40x128xf32, #tpu.memory_space<vmem>>
      %dma_wait3A_111 = tpu.memref_slice %arg20[%multiple_of3A] : memref<10000xi32, #tpu.memory_space<vmem>> -> memref<40xi32, #tpu.memory_space<vmem>>
      %dma_wait3A_112 = arith.constant 0 : i32
      %dma_wait3A_113 = arith.constant 0 : i32
      %dma_wait3A_114 = tpu.memref_slice %arg2[%dma_wait3A_112, %dma_wait3A_113] : memref<10000x128xf32, #tpu.memory_space<hbm>> -> memref<10000x128xf32, #tpu.memory_space<hbm>>
      tpu.wait_indirect_dma semaphore(%arg26 : memref<!tpu.dma_semaphore, #tpu.memory_space<semaphore_mem>>) src(%dma_wait3A_114 : memref<10000x128xf32, #tpu.memory_space<hbm>>) dst(%dma_wait3A_110 : memref<40x128xf32, #tpu.memory_space<vmem>>)
      %dma_wait3A_115 = arith.constant 0 : i32
      %dma_wait3A_116 = arith.constant 384 : i32
      %dma_wait3A_117 = tpu.memref_slice %arg23[%dma_wait3A_115, %dma_wait3A_116] : memref<40x512xf32, #tpu.memory_space<vmem>> -> memref<40x128xf32, #tpu.memory_space<vmem>>
      %dma_wait3A_118 = tpu.memref_slice %arg21[%multiple_of3A] : memref<10000xi32, #tpu.memory_space<vmem>> -> memref<40xi32, #tpu.memory_space<vmem>>
      %dma_wait3A_119 = arith.constant 0 : i32
      %dma_wait3A_120 = arith.constant 0 : i32
      %dma_wait3A_121 = tpu.memref_slice %arg4[%dma_wait3A_119, %dma_wait3A_120] : memref<320000x128xf32, #tpu.memory_space<hbm>> -> memref<320000x128xf32, #tpu.memory_space<hbm>>
      tpu.wait_indirect_dma semaphore(%arg27 : memref<!tpu.dma_semaphore, #tpu.memory_space<semaphore_mem>>) src(%dma_wait3A_121 : memref<320000x128xf32, #tpu.memory_space<hbm>>) dst(%dma_wait3A_117 : memref<40x128xf32, #tpu.memory_space<vmem>>)
      %add3A_122 = arith.addi %mul3A_2, %multiple_of3A : i32
      %dma_start3A_123 = arith.constant 0 : i32
      %dma_start3A_124 = tpu.memref_slice %arg13[%add3A_122, %dma_start3A_123] : memref<320000x512xf32, #tpu.memory_space<hbm>> -> memref<40x512xf32, #tpu.memory_space<hbm>>
      %dma_start3A_125 = arith.constant 0 : i32
      %dma_start3A_126 = tpu.memref_slice %arg13[%add3A_122, %dma_start3A_125] : memref<320000x512xf32, #tpu.memory_space<hbm>> -> memref<40x512xf32, #tpu.memory_space<hbm>>
      tpu.enqueue_dma source(%arg23 : memref<40x512xf32, #tpu.memory_space<vmem>>) target(%dma_start3A_126 : memref<40x512xf32, #tpu.memory_space<hbm>>) target_semaphore(%arg28 : memref<!tpu.dma_semaphore, #tpu.memory_space<semaphore_mem>>)
      %parallel_loop3A_127 = arith.constant 0 : i32
      %parallel_loop3A_128 = arith.constant 40 : i32
      %parallel_loop3A_129 = arith.constant 1 : i32
      scf.for %parallel_loop3A_165 = %parallel_loop3A_127 to %parallel_loop3A_128 step %parallel_loop3A_129  : i32 {
        %parallel_loop3A_166 = arith.addi %multiple_of3A_74, %parallel_loop3A_165 : i32
        %parallel_loop3A_167 = vector.broadcast %parallel_loop3A_166 : i32 to vector<16xi32>
        %parallel_loop3A_168 = tpu.vector_load_idx %arg18[%parallel_loop3A_167] : memref<10000xf32, #tpu.memory_space<vmem>>[vector<16xi32>], vector<16xf32>,
        %parallel_loop3A_169 = arith.mulf %parallel_loop3A_168, %get3A_5 : vector<16xf32>
        %parallel_loop3A_170 = arith.addf %parallel_loop3A_169, %get3A_21 : vector<16xf32>
        %parallel_loop3A_171 = arith.fptosi %parallel_loop3A_170 : vector<16xf32> to vector<16xi32>
        %parallel_loop3A_172 = arith.constant 8191 : i32
        %parallel_loop3A_173 = vector.broadcast %parallel_loop3A_172 : i32 to vector<16xi32>
        %parallel_loop3A_174 = arith.andi %parallel_loop3A_171, %parallel_loop3A_173 : vector<16xi32>
        %parallel_loop3A_175 = tpu.vector_load_idx %arg15[%parallel_loop3A_174] : memref<8192xf32, #tpu.memory_space<vmem>>[vector<16xi32>], vector<16xf32>,
        %parallel_loop3A_176 = arith.index_cast %parallel_loop3A_165 : i32 to index
        %parallel_loop3A_177 = arith.constant 256 : index
        %parallel_loop3A_178 = tpu.vector_load %arg24[%parallel_loop3A_176, %parallel_loop3A_177] {strides = array<i32>} : memref<40x512xf32, #tpu.memory_space<vmem>>, vector<16xf32>,
        tpu.vector_store %arg24[%parallel_loop3A_176, %parallel_loop3A_177], %parallel_loop3A_175 {strides = array<i32>} : memref<40x512xf32, #tpu.memory_space<vmem>>, vector<16xf32>,
        %parallel_loop3A_179 = arith.mulf %parallel_loop3A_168, %get3A_7 : vector<16xf32>
        %parallel_loop3A_180 = arith.addf %parallel_loop3A_179, %get3A_23 : vector<16xf32>
        %parallel_loop3A_181 = arith.fptosi %parallel_loop3A_180 : vector<16xf32> to vector<16xi32>
        %parallel_loop3A_182 = arith.constant 8191 : i32
        %parallel_loop3A_183 = vector.broadcast %parallel_loop3A_182 : i32 to vector<16xi32>
        %parallel_loop3A_184 = arith.andi %parallel_loop3A_181, %parallel_loop3A_183 : vector<16xi32>
        %parallel_loop3A_185 = tpu.vector_load_idx %arg15[%parallel_loop3A_184] : memref<8192xf32, #tpu.memory_space<vmem>>[vector<16xi32>], vector<16xf32>,
        %parallel_loop3A_186 = arith.index_cast %parallel_loop3A_165 : i32 to index
        %parallel_loop3A_187 = arith.constant 272 : index
        %parallel_loop3A_188 = tpu.vector_load %arg24[%parallel_loop3A_186, %parallel_loop3A_187] {strides = array<i32>} : memref<40x512xf32, #tpu.memory_space<vmem>>, vector<16xf32>,
        tpu.vector_store %arg24[%parallel_loop3A_186, %parallel_loop3A_187], %parallel_loop3A_185 {strides = array<i32>} : memref<40x512xf32, #tpu.memory_space<vmem>>, vector<16xf32>,
        %parallel_loop3A_189 = arith.mulf %parallel_loop3A_168, %get3A_9 : vector<16xf32>
        %parallel_loop3A_190 = arith.addf %parallel_loop3A_189, %get3A_25 : vector<16xf32>
        %parallel_loop3A_191 = arith.fptosi %parallel_loop3A_190 : vector<16xf32> to vector<16xi32>
        %parallel_loop3A_192 = arith.constant 8191 : i32
        %parallel_loop3A_193 = vector.broadcast %parallel_loop3A_192 : i32 to vector<16xi32>
        %parallel_loop3A_194 = arith.andi %parallel_loop3A_191, %parallel_loop3A_193 : vector<16xi32>
        %parallel_loop3A_195 = tpu.vector_load_idx %arg15[%parallel_loop3A_194] : memref<8192xf32, #tpu.memory_space<vmem>>[vector<16xi32>], vector<16xf32>,
        %parallel_loop3A_196 = arith.index_cast %parallel_loop3A_165 : i32 to index
        %parallel_loop3A_197 = arith.constant 288 : index
        %parallel_loop3A_198 = tpu.vector_load %arg24[%parallel_loop3A_196, %parallel_loop3A_197] {strides = array<i32>} : memref<40x512xf32, #tpu.memory_space<vmem>>, vector<16xf32>,
        tpu.vector_store %arg24[%parallel_loop3A_196, %parallel_loop3A_197], %parallel_loop3A_195 {strides = array<i32>} : memref<40x512xf32, #tpu.memory_space<vmem>>, vector<16xf32>,
        %parallel_loop3A_199 = arith.mulf %parallel_loop3A_168, %get3A_11 : vector<16xf32>
        %parallel_loop3A_200 = arith.addf %parallel_loop3A_199, %get3A_27 : vector<16xf32>
        %parallel_loop3A_201 = arith.fptosi %parallel_loop3A_200 : vector<16xf32> to vector<16xi32>
        %parallel_loop3A_202 = arith.constant 8191 : i32
        %parallel_loop3A_203 = vector.broadcast %parallel_loop3A_202 : i32 to vector<16xi32>
        %parallel_loop3A_204 = arith.andi %parallel_loop3A_201, %parallel_loop3A_203 : vector<16xi32>
        %parallel_loop3A_205 = tpu.vector_load_idx %arg15[%parallel_loop3A_204] : memref<8192xf32, #tpu.memory_space<vmem>>[vector<16xi32>], vector<16xf32>,
        %parallel_loop3A_206 = arith.index_cast %parallel_loop3A_165 : i32 to index
        %parallel_loop3A_207 = arith.constant 304 : index
        %parallel_loop3A_208 = tpu.vector_load %arg24[%parallel_loop3A_206, %parallel_loop3A_207] {strides = array<i32>} : memref<40x512xf32, #tpu.memory_space<vmem>>, vector<16xf32>,
        tpu.vector_store %arg24[%parallel_loop3A_206, %parallel_loop3A_207], %parallel_loop3A_205 {strides = array<i32>} : memref<40x512xf32, #tpu.memory_space<vmem>>, vector<16xf32>,
        %parallel_loop3A_209 = arith.mulf %parallel_loop3A_168, %get3A_13 : vector<16xf32>
        %parallel_loop3A_210 = arith.addf %parallel_loop3A_209, %get3A_29 : vector<16xf32>
        %parallel_loop3A_211 = arith.fptosi %parallel_loop3A_210 : vector<16xf32> to vector<16xi32>
        %parallel_loop3A_212 = arith.constant 8191 : i32
        %parallel_loop3A_213 = vector.broadcast %parallel_loop3A_212 : i32 to vector<16xi32>
        %parallel_loop3A_214 = arith.andi %parallel_loop3A_211, %parallel_loop3A_213 : vector<16xi32>
        %parallel_loop3A_215 = tpu.vector_load_idx %arg15[%parallel_loop3A_214] : memref<8192xf32, #tpu.memory_space<vmem>>[vector<16xi32>], vector<16xf32>,
        %parallel_loop3A_216 = arith.index_cast %parallel_loop3A_165 : i32 to index
        %parallel_loop3A_217 = arith.constant 320 : index
        %parallel_loop3A_218 = tpu.vector_load %arg24[%parallel_loop3A_216, %parallel_loop3A_217] {strides = array<i32>} : memref<40x512xf32, #tpu.memory_space<vmem>>, vector<16xf32>,
        tpu.vector_store %arg24[%parallel_loop3A_216, %parallel_loop3A_217], %parallel_loop3A_215 {strides = array<i32>} : memref<40x512xf32, #tpu.memory_space<vmem>>, vector<16xf32>,
        %parallel_loop3A_219 = arith.mulf %parallel_loop3A_168, %get3A_15 : vector<16xf32>
        %parallel_loop3A_220 = arith.addf %parallel_loop3A_219, %get3A_31 : vector<16xf32>
        %parallel_loop3A_221 = arith.fptosi %parallel_loop3A_220 : vector<16xf32> to vector<16xi32>
        %parallel_loop3A_222 = arith.constant 8191 : i32
        %parallel_loop3A_223 = vector.broadcast %parallel_loop3A_222 : i32 to vector<16xi32>
        %parallel_loop3A_224 = arith.andi %parallel_loop3A_221, %parallel_loop3A_223 : vector<16xi32>
        %parallel_loop3A_225 = tpu.vector_load_idx %arg15[%parallel_loop3A_224] : memref<8192xf32, #tpu.memory_space<vmem>>[vector<16xi32>], vector<16xf32>,
        %parallel_loop3A_226 = arith.index_cast %parallel_loop3A_165 : i32 to index
        %parallel_loop3A_227 = arith.constant 336 : index
        %parallel_loop3A_228 = tpu.vector_load %arg24[%parallel_loop3A_226, %parallel_loop3A_227] {strides = array<i32>} : memref<40x512xf32, #tpu.memory_space<vmem>>, vector<16xf32>,
        tpu.vector_store %arg24[%parallel_loop3A_226, %parallel_loop3A_227], %parallel_loop3A_225 {strides = array<i32>} : memref<40x512xf32, #tpu.memory_space<vmem>>, vector<16xf32>,
        %parallel_loop3A_229 = arith.mulf %parallel_loop3A_168, %get3A_17 : vector<16xf32>
        %parallel_loop3A_230 = arith.addf %parallel_loop3A_229, %get3A_33 : vector<16xf32>
        %parallel_loop3A_231 = arith.fptosi %parallel_loop3A_230 : vector<16xf32> to vector<16xi32>
        %parallel_loop3A_232 = arith.constant 8191 : i32
        %parallel_loop3A_233 = vector.broadcast %parallel_loop3A_232 : i32 to vector<16xi32>
        %parallel_loop3A_234 = arith.andi %parallel_loop3A_231, %parallel_loop3A_233 : vector<16xi32>
        %parallel_loop3A_235 = tpu.vector_load_idx %arg15[%parallel_loop3A_234] : memref<8192xf32, #tpu.memory_space<vmem>>[vector<16xi32>], vector<16xf32>,
        %parallel_loop3A_236 = arith.index_cast %parallel_loop3A_165 : i32 to index
        %parallel_loop3A_237 = arith.constant 352 : index
        %parallel_loop3A_238 = tpu.vector_load %arg24[%parallel_loop3A_236, %parallel_loop3A_237] {strides = array<i32>} : memref<40x512xf32, #tpu.memory_space<vmem>>, vector<16xf32>,
        tpu.vector_store %arg24[%parallel_loop3A_236, %parallel_loop3A_237], %parallel_loop3A_235 {strides = array<i32>} : memref<40x512xf32, #tpu.memory_space<vmem>>, vector<16xf32>,
        %parallel_loop3A_239 = arith.mulf %parallel_loop3A_168, %get3A_19 : vector<16xf32>
        %parallel_loop3A_240 = arith.addf %parallel_loop3A_239, %get3A_35 : vector<16xf32>
        %parallel_loop3A_241 = arith.fptosi %parallel_loop3A_240 : vector<16xf32> to vector<16xi32>
        %parallel_loop3A_242 = arith.constant 8191 : i32
        %parallel_loop3A_243 = vector.broadcast %parallel_loop3A_242 : i32 to vector<16xi32>
        %parallel_loop3A_244 = arith.andi %parallel_loop3A_241, %parallel_loop3A_243 : vector<16xi32>
        %parallel_loop3A_245 = tpu.vector_load_idx %arg15[%parallel_loop3A_244] : memref<8192xf32, #tpu.memory_space<vmem>>[vector<16xi32>], vector<16xf32>,
        %parallel_loop3A_246 = arith.index_cast %parallel_loop3A_165 : i32 to index
        %parallel_loop3A_247 = arith.constant 368 : index
        %parallel_loop3A_248 = tpu.vector_load %arg24[%parallel_loop3A_246, %parallel_loop3A_247] {strides = array<i32>} : memref<40x512xf32, #tpu.memory_space<vmem>>, vector<16xf32>,
        tpu.vector_store %arg24[%parallel_loop3A_246, %parallel_loop3A_247], %parallel_loop3A_245 {strides = array<i32>} : memref<40x512xf32, #tpu.memory_space<vmem>>, vector<16xf32>,
      } {sc.loop_unroll_factor = 2 : i64, sc.parallel_access}
      %add3A_130 = arith.addi %mul3A_2, %multiple_of3A : i32
      %dma_wait3A_131 = arith.constant 0 : i32
      %dma_wait3A_132 = tpu.memref_slice %arg13[%add3A_130, %dma_wait3A_131] : memref<320000x512xf32, #tpu.memory_space<hbm>> -> memref<40x512xf32, #tpu.memory_space<hbm>>
      %dma_wait3A_133 = arith.constant 0 : i32
      %dma_wait3A_134 = tpu.memref_slice %arg13[%add3A_130, %dma_wait3A_133] : memref<320000x512xf32, #tpu.memory_space<hbm>> -> memref<40x512xf32, #tpu.memory_space<hbm>>
      tpu.wait_dma2 semaphore(%arg28 : memref<!tpu.dma_semaphore, #tpu.memory_space<semaphore_mem>>) src(%arg23 : memref<40x512xf32, #tpu.memory_space<vmem>>) dst(%dma_wait3A_134 : memref<40x512xf32, #tpu.memory_space<hbm>>)
      %lt3A = arith.constant 124 : i32
      %lt3A_135 = arith.cmpi slt, %scan3A_69, %lt3A : i32
      %convert_element_type3A_136 = arith.extui %lt3A_135 : i1 to i32
      %cond3A_137 = arith.constant 0 : i32
      %cond3A_138 = arith.cmpi ne, %convert_element_type3A_136, %cond3A_137 : i32
      scf.if %cond3A_138 {
        %add3A_165 = arith.constant 80 : i32
        %add3A_166 = arith.addi %multiple_of3A, %add3A_165 : i32
        %dma_start3A_167 = arith.constant 0 : i32
        %dma_start3A_168 = arith.constant 0 : i32
        %dma_start3A_169 = tpu.memref_slice %arg23[%dma_start3A_167, %dma_start3A_168] : memref<40x512xf32, #tpu.memory_space<vmem>> -> memref<40x128xf32, #tpu.memory_space<vmem>>
        %dma_start3A_170 = tpu.memref_slice %arg19[%add3A_166] : memref<10000xi32, #tpu.memory_space<vmem>> -> memref<40xi32, #tpu.memory_space<vmem>>
        %dma_start3A_171 = arith.constant 0 : i32
        %dma_start3A_172 = arith.constant 0 : i32
        %dma_start3A_173 = tpu.memref_slice %arg2[%dma_start3A_171, %dma_start3A_172] : memref<10000x128xf32, #tpu.memory_space<hbm>> -> memref<10000x128xf32, #tpu.memory_space<hbm>>
        tpu.enqueue_indirect_dma source(%dma_start3A_173 : memref<10000x128xf32, #tpu.memory_space<hbm>>) target(%dma_start3A_169 : memref<40x128xf32, #tpu.memory_space<vmem>>) offsets(%dma_start3A_170 : memref<40xi32, #tpu.memory_space<vmem>>) semaphore(%arg25 : memref<!tpu.dma_semaphore, #tpu.memory_space<semaphore_mem>>)
        %dma_start3A_174 = arith.constant 0 : i32
        %dma_start3A_175 = arith.constant 128 : i32
        %dma_start3A_176 = tpu.memref_slice %arg23[%dma_start3A_174, %dma_start3A_175] : memref<40x512xf32, #tpu.memory_space<vmem>> -> memref<40x128xf32, #tpu.memory_space<vmem>>
        %dma_start3A_177 = tpu.memref_slice %arg20[%add3A_166] : memref<10000xi32, #tpu.memory_space<vmem>> -> memref<40xi32, #tpu.memory_space<vmem>>
        %dma_start3A_178 = arith.constant 0 : i32
        %dma_start3A_179 = arith.constant 0 : i32
        %dma_start3A_180 = tpu.memref_slice %arg2[%dma_start3A_178, %dma_start3A_179] : memref<10000x128xf32, #tpu.memory_space<hbm>> -> memref<10000x128xf32, #tpu.memory_space<hbm>>
        tpu.enqueue_indirect_dma source(%dma_start3A_180 : memref<10000x128xf32, #tpu.memory_space<hbm>>) target(%dma_start3A_176 : memref<40x128xf32, #tpu.memory_space<vmem>>) offsets(%dma_start3A_177 : memref<40xi32, #tpu.memory_space<vmem>>) semaphore(%arg26 : memref<!tpu.dma_semaphore, #tpu.memory_space<semaphore_mem>>)
        %dma_start3A_181 = arith.constant 0 : i32
        %dma_start3A_182 = arith.constant 384 : i32
        %dma_start3A_183 = tpu.memref_slice %arg23[%dma_start3A_181, %dma_start3A_182] : memref<40x512xf32, #tpu.memory_space<vmem>> -> memref<40x128xf32, #tpu.memory_space<vmem>>
        %dma_start3A_184 = tpu.memref_slice %arg21[%add3A_166] : memref<10000xi32, #tpu.memory_space<vmem>> -> memref<40xi32, #tpu.memory_space<vmem>>
        %dma_start3A_185 = arith.constant 0 : i32
        %dma_start3A_186 = arith.constant 0 : i32
        %dma_start3A_187 = tpu.memref_slice %arg4[%dma_start3A_185, %dma_start3A_186] : memref<320000x128xf32, #tpu.memory_space<hbm>> -> memref<320000x128xf32, #tpu.memory_space<hbm>>
        tpu.enqueue_indirect_dma source(%dma_start3A_187 : memref<320000x128xf32, #tpu.memory_space<hbm>>) target(%dma_start3A_183 : memref<40x128xf32, #tpu.memory_space<vmem>>) offsets(%dma_start3A_184 : memref<40xi32, #tpu.memory_space<vmem>>) semaphore(%arg27 : memref<!tpu.dma_semaphore, #tpu.memory_space<semaphore_mem>>)
      } else {
      }
      %dma_wait3A_139 = arith.constant 0 : i32
      %dma_wait3A_140 = arith.constant 0 : i32
      %dma_wait3A_141 = tpu.memref_slice %arg24[%dma_wait3A_139, %dma_wait3A_140] : memref<40x512xf32, #tpu.memory_space<vmem>> -> memref<40x128xf32, #tpu.memory_space<vmem>>
      %dma_wait3A_142 = tpu.memref_slice %arg19[%multiple_of3A_74] : memref<10000xi32, #tpu.memory_space<vmem>> -> memref<40xi32, #tpu.memory_space<vmem>>
      %dma_wait3A_143 = arith.constant 0 : i32
      %dma_wait3A_144 = arith.constant 0 : i32
      %dma_wait3A_145 = tpu.memref_slice %arg2[%dma_wait3A_143, %dma_wait3A_144] : memref<10000x128xf32, #tpu.memory_space<hbm>> -> memref<10000x128xf32, #tpu.memory_space<hbm>>
      tpu.wait_indirect_dma semaphore(%arg29 : memref<!tpu.dma_semaphore, #tpu.memory_space<semaphore_mem>>) src(%dma_wait3A_145 : memref<10000x128xf32, #tpu.memory_space<hbm>>) dst(%dma_wait3A_141 : memref<40x128xf32, #tpu.memory_space<vmem>>)
      %dma_wait3A_146 = arith.constant 0 : i32
      %dma_wait3A_147 = arith.constant 128 : i32
      %dma_wait3A_148 = tpu.memref_slice %arg24[%dma_wait3A_146, %dma_wait3A_147] : memref<40x512xf32, #tpu.memory_space<vmem>> -> memref<40x128xf32, #tpu.memory_space<vmem>>
      %dma_wait3A_149 = tpu.memref_slice %arg20[%multiple_of3A_74] : memref<10000xi32, #tpu.memory_space<vmem>> -> memref<40xi32, #tpu.memory_space<vmem>>
      %dma_wait3A_150 = arith.constant 0 : i32
      %dma_wait3A_151 = arith.constant 0 : i32
      %dma_wait3A_152 = tpu.memref_slice %arg2[%dma_wait3A_150, %dma_wait3A_151] : memref<10000x128xf32, #tpu.memory_space<hbm>> -> memref<10000x128xf32, #tpu.memory_space<hbm>>
      tpu.wait_indirect_dma semaphore(%arg30 : memref<!tpu.dma_semaphore, #tpu.memory_space<semaphore_mem>>) src(%dma_wait3A_152 : memref<10000x128xf32, #tpu.memory_space<hbm>>) dst(%dma_wait3A_148 : memref<40x128xf32, #tpu.memory_space<vmem>>)
      %dma_wait3A_153 = arith.constant 0 : i32
      %dma_wait3A_154 = arith.constant 384 : i32
      %dma_wait3A_155 = tpu.memref_slice %arg24[%dma_wait3A_153, %dma_wait3A_154] : memref<40x512xf32, #tpu.memory_space<vmem>> -> memref<40x128xf32, #tpu.memory_space<vmem>>
      %dma_wait3A_156 = tpu.memref_slice %arg21[%multiple_of3A_74] : memref<10000xi32, #tpu.memory_space<vmem>> -> memref<40xi32, #tpu.memory_space<vmem>>
      %dma_wait3A_157 = arith.constant 0 : i32
      %dma_wait3A_158 = arith.constant 0 : i32
      %dma_wait3A_159 = tpu.memref_slice %arg4[%dma_wait3A_157, %dma_wait3A_158] : memref<320000x128xf32, #tpu.memory_space<hbm>> -> memref<320000x128xf32, #tpu.memory_space<hbm>>
      tpu.wait_indirect_dma semaphore(%arg31 : memref<!tpu.dma_semaphore, #tpu.memory_space<semaphore_mem>>) src(%dma_wait3A_159 : memref<320000x128xf32, #tpu.memory_space<hbm>>) dst(%dma_wait3A_155 : memref<40x128xf32, #tpu.memory_space<vmem>>)
      %add3A_160 = arith.addi %mul3A_2, %multiple_of3A_74 : i32
      %dma_start3A_161 = arith.constant 0 : i32
      %dma_start3A_162 = tpu.memref_slice %arg13[%add3A_160, %dma_start3A_161] : memref<320000x512xf32, #tpu.memory_space<hbm>> -> memref<40x512xf32, #tpu.memory_space<hbm>>
      %dma_start3A_163 = arith.constant 0 : i32
      %dma_start3A_164 = tpu.memref_slice %arg13[%add3A_160, %dma_start3A_163] : memref<320000x512xf32, #tpu.memory_space<hbm>> -> memref<40x512xf32, #tpu.memory_space<hbm>>
      tpu.enqueue_dma source(%arg24 : memref<40x512xf32, #tpu.memory_space<vmem>>) target(%dma_start3A_164 : memref<40x512xf32, #tpu.memory_space<hbm>>) target_semaphore(%arg32 : memref<!tpu.dma_semaphore, #tpu.memory_space<semaphore_mem>>)
    }
    %scan3A_63 = arith.constant 125 : i32
    %add3A_64 = arith.constant 9960 : i32
    %add3A_65 = arith.addi %mul3A_2, %add3A_64 : i32
    %dma_wait3A = arith.constant 0 : i32
    %dma_wait3A_66 = tpu.memref_slice %arg13[%add3A_65, %dma_wait3A] : memref<320000x512xf32, #tpu.memory_space<hbm>> -> memref<40x512xf32, #tpu.memory_space<hbm>>
    %dma_wait3A_67 = arith.constant 0 : i32
    %dma_wait3A_68 = tpu.memref_slice %arg13[%add3A_65, %dma_wait3A_67] : memref<320000x512xf32, #tpu.memory_space<hbm>> -> memref<40x512xf32, #tpu.memory_space<hbm>>
    tpu.wait_dma2 semaphore(%arg32 : memref<!tpu.dma_semaphore, #tpu.memory_space<semaphore_mem>>) src(%arg24 : memref<40x512xf32, #tpu.memory_space<vmem>>) dst(%dma_wait3A_68 : memref<40x512xf32, #tpu.memory_space<hbm>>)
    return
  }
}

</mosaic_0001>

<sc_bundles>
// kernel: _run.3.cloned.1.call-start
scs
__scs_entry_jumppad:
0x0: {  	(pc) =	sbr.rel $0x88, $3  }
0x1: {  	(tag) =	ssettag $0x0;
	lr =	simm.s32 $0x1  }
0x2: {  	[smem:$0x3F96] =	sst lr;
	_ =	strace $0xD0000000  }
0x3: {  	_ = 	snop  }
0x4: {  	_ = 	snop  }
0x5: {  	_ = 	snop  }
0x6: {  	_ = 	snop  }
0x7: {  	_ = 	snop  }
__scs_overlays_trampoline_lowered:
0x8: {  	[smem:$0x3FA5] =	sst s0  }
0x9: {  	[smem:$0x3FA6] =	sst s1  }
0xa: {  	[smem:$0x3FA7] =	sst s2  }
0xb: {  	[smem:$0x3FA8] =	sst s3  }
0xc: {  	[smem:$0x3FA9] =	sst s4  }
0xd: {  	[smem:$0x3FAA] =	sst s5  }
0xe: {  	[smem:$0x3FAB] =	sst s6  }
0xf: {  	[smem:$0x3FAC] =	sst s7  }
0x10: {  	[smem:$0x3FAD] =	sst s8  }
0x11: {  	[smem:$0x3FAE] =	sst s9;
	s0 =	simm.s32 @!p0 $0x0  }
0x12: {  	s1 =	sld [smem:$0x3F94];
	s0 =	simm.s32 @p0 $0x1  }
0x13: {  	[smem:$0x3FAF] =	sst s0;
	s0 =	simm.s32 @!p1 $0x0  }
0x14: {  	s2 =	sld [smem:$0x3F93];
	s0 =	simm.s32 @p1 $0x1  }
0x15: {  	[smem:$0x3FB0] =	sst s0;
	s0 =	simm.s32 @!p2 $0x0  }
0x16: {  	s3 =	sld [smem:$0x3FDB];
	s0 =	simm.s32 @p2 $0x1  }
0x17: {  	s4 =	simm.s32 $0x1BF5;
	[smem:$0x3FB2] =	sst s0  }
0x18: {  	s0 =	sld [smem:$0x3F95];
	_ =	swait.ge [sflag:s4], $0x0  }
0x19: {  	s7 =	sld [smem:$0x3F96]  }
0x1a: {  	s8 =	sadd.s32 $0xFFFFE003, lr  }
0x1b: {  	s9 =	sadd.s32 $0xFFFFFEF7, lr;
	s5 =	simm.s32 $0xFFFFFFFF;
	p2 =	slt.u32 s8, $0xFFFFF086  }
0x1c: {  	p1 =	slt.u32 s9, $0xF7A;
	s5 =	simm.s32 @!p2 $0x0  }
0x1d: {  	s5 =	simm.s32 @p1 $0x1;
	p0 =	seq.s32 s7, s2  }
0x1e: {  	s7 =	smul.u32 @!p0 $0xF7A, s2;
	p2 =	seq.s32 @!p0 s5, $0x0  }
0x1f: {  	s9 =	smul.u32 $0xF7A, s1;
	s8 =	simm.s32 @!p0 $0x1BF5;
	p2 =	por !p2, p0  }
0x20: {  	[sflag:s8] =	ssyncset.s32 @!p0 $0xFFFFF086;
	s6 =	sadd.s32 @!p0 s3, s7;
	s7 =	simm.s32 @!p0 $0x108  }
0x21: {  	s3 =	sadd.s32 s3, s9;
	s6 =	sadd.s32 @!p0 $0x88, s6;
	s7 =	simm.s32 @p2 $0x1082  }
0x22: {  	[simem:s7], [sflag:s8] =	dma.local @!p0 [hbm:s6], $0xF7A  }
0x23: {  	s9 =	sor.u32 $0xD0000000, s2;
	s6 =	simm.s32 $0x108;
	_ =	swait.ge @!p0 [sflag:s8], $0x0  }
0x24: {  	s3 =	sadd.s32 $0x88, s3;
	s6 =	simm.s32 @!p1 $0x1082;
	[sflag:s4] =	ssyncset.s32 $0xFFFFF086  }
0x25: {  	[simem:s6], [sflag:s4] =	dma.local [hbm:s3], $0xF7A  }
0x26: {  	[smem:$0x3F96] =	sst s1;
	(tag) =	ssettag s2;
	_ =	strace s9  }
0x27: {  	s1 =	sld [smem:$0x3FA6]  }
0x28: {  	s2 =	sld [smem:$0x3FA7]  }
0x29: {  	s4 =	sld [smem:$0x3FA9]  }
0x2a: {  	p0 =	seq.s32 s5, $0x0;
	s5 =	sld [smem:$0x3FAA]  }
0x2b: {  	s6 =	sld [smem:$0x3FAB]  }
0x2c: {  	s7 =	sld [smem:$0x3FAC]  }
0x2d: {  	s3 =	simm.s32 $0x108;
	s8 =	sld [smem:$0x3FAD]  }
0x2e: {  	s3 =	simm.s32 @!p0 $0x1082;
	s9 =	sld [smem:$0x3FAE]  }
0x2f: {  	lr =	sadd.s32 s0, s3;
	s0 =	sld [smem:$0x3FA5]  }
0x30: {  	s3 =	sld [smem:$0x3FA8]  }
0x31: {  	[smem:$0x3FB1] =	sst s10  }
0x32: {  	s10 =	sld [smem:$0x3FAF];
	_ =	sdelay $0x3  }
0x33: {  	p0 =	seq.s32 s10, $0x1;
	s10 =	sld [smem:$0x3FB1];
	_ =	sdelay $0x3  }
0x34: {  	[smem:$0x3FB1] =	sst s10  }
0x35: {  	s10 =	sld [smem:$0x3FB0];
	_ =	sdelay $0x3  }
0x36: {  	p1 =	seq.s32 s10, $0x1;
	s10 =	sld [smem:$0x3FB1];
	_ =	sdelay $0x3  }
0x37: {  	[smem:$0x3FB1] =	sst s10  }
0x38: {  	s10 =	sld [smem:$0x3FB2]  }
0x39: {  	_ = 	snop;
	(pc) =	sbr.ind lr, $3  }
0x3a: {  	_ = 	snop  }
0x3b: {  	_ = 	snop  }
0x3c: {  	p2 =	seq.s32 s10, $0x1;
	s10 =	sld [smem:$0x3FB1]  }
0x3d: {  	_ =	shalt  }
0x3e: {  	_ =	shalt  }
0x3f: {  	_ =	shalt  }
0x40: {  	_ =	shalt  }
0x41: {  	_ =	shalt  }
0x42: {  	_ =	shalt  }
0x43: {  	_ =	shalt  }
0x44: {  	_ =	shalt  }
0x45: {  	_ =	shalt  }
0x46: {  	_ =	shalt  }
0x47: {  	_ =	shalt  }
0x48: {  	_ =	shalt  }
0x49: {  	_ =	shalt  }
0x4a: {  	_ =	shalt  }
0x4b: {  	_ =	shalt  }
0x4c: {  	_ =	shalt  }
0x4d: {  	_ =	shalt  }
0x4e: {  	_ =	shalt  }
0x4f: {  	_ =	shalt  }
0x50: {  	_ =	shalt  }
0x51: {  	_ =	shalt  }
0x52: {  	_ =	shalt  }
0x53: {  	_ =	shalt  }
0x54: {  	_ =	shalt  }
0x55: {  	_ =	shalt  }
0x56: {  	_ =	shalt  }
0x57: {  	_ =	shalt  }
0x58: {  	_ =	shalt  }
0x59: {  	_ =	shalt  }
0x5a: {  	_ =	shalt  }
0x5b: {  	_ =	shalt  }
0x5c: {  	_ =	shalt  }
0x5d: {  	_ =	shalt  }
0x5e: {  	_ =	shalt  }
0x5f: {  	_ =	shalt  }
0x60: {  	_ =	shalt  }
0x61: {  	_ =	shalt  }
0x62: {  	_ =	shalt  }
0x63: {  	_ =	shalt  }
0x64: {  	_ =	shalt  }
0x65: {  	_ =	shalt  }
0x66: {  	_ =	shalt  }
0x67: {  	_ =	shalt  }
0x68: {  	_ =	shalt  }
0x69: {  	_ =	shalt  }
0x6a: {  	_ =	shalt  }
0x6b: {  	_ =	shalt  }
0x6c: {  	_ =	shalt  }
0x6d: {  	_ =	shalt  }
0x6e: {  	_ =	shalt  }
0x6f: {  	_ =	shalt  }
0x70: {  	_ =	shalt  }
0x71: {  	_ =	shalt  }
0x72: {  	_ =	shalt  }
0x73: {  	_ =	shalt  }
0x74: {  	_ =	shalt  }
0x75: {  	_ =	shalt  }
0x76: {  	_ =	shalt  }
0x77: {  	_ =	shalt  }
0x78: {  	_ =	shalt  }
0x79: {  	_ =	shalt  }
0x7a: {  	_ =	shalt  }
0x7b: {  	_ =	shalt  }
0x7c: {  	_ =	shalt  }
0x7d: {  	_ =	shalt  }
0x7e: {  	_ =	shalt  }
0x7f: {  	_ =	shalt  }
0x80: {  	_ =	shalt  }
0x81: {  	_ =	shalt  }
0x82: {  	_ =	shalt  }
0x83: {  	_ =	shalt  }
0x84: {  	_ =	shalt  }
0x85: {  	_ =	shalt  }
0x86: {  	_ =	shalt  }
0x87: {  	_ =	shalt  }
.Lfunc_end0:
.L_simem_size_0:
called_computation_lowered:
.L_overlay_start_0:
0x88: {  	s2 =	sld [smem:$0x3FD9]  }
0x89: {  	s3 =	sld [smem:$0x3FFE];
	_ =	sdelay $0x1  }
0x8a: {  	s1 =	srdreg.scid  }
0x8b: {  	s0 =	sand.u32 $0x1, s1  }
0x8c: {  	s18 =	sshll.u32 s0, $0xA;
	s2 =	sadd.s32 s3, s2  }
0x8d: {  	s2 =	sadd.s32 s2, s18  }
0x8e: {  	[smem:$0x3FBD] =	sst s2  }
0x8f: {  	_ = 	snop  }
0x90: {  	s2 =	sld [smem:$0x3FC9]  }
0x91: {  	s19 =	sld [smem:$0x3FC8]  }
0x92: {  	s4 =	sld [smem:$0x3FC7]  }
0x93: {  	s5 =	sld [smem:$0x3FC6]  }
0x94: {  	s6 =	sld [smem:$0x3FC5]  }
0x95: {  	s7 =	sld [smem:$0x3FC4]  }
0x96: {  	s8 =	sld [smem:$0x3FC3]  }
0x97: {  	s9 =	sld [smem:$0x3FC2]  }
0x98: {  	s10 =	sld [smem:$0x3FC1]  }
0x99: {  	s11 =	sld [smem:$0x3FC0]  }
0x9a: {  	s12 =	sld [smem:$0x3FBF]  }
0x9b: {  	s13 =	sld [smem:$0x3FD0];
	(tm) =	ssettm $0x1  }
0x9c: {  	s14 =	sld [smem:$0x3FFB];
	_ =	sdelay $0x3  }
0x9d: {  	_ =	strace s14  }
0x9e: {  	s14 =	sld [smem:$0x3FFC];
	_ =	sdelay $0x3  }
0x9f: {  	_ =	strace s14  }
0xa0: {  	s14 =	sld [smem:$0x3FFD];
	_ =	sdelay $0x3  }
0xa1: {  	_ =	strace s14  }
0xa2: {  	_ =	strace $0x8FFFFFFF  }
0xa3: {  	s20 =	sld [smem:$0x3FDB];
	_ =	sdelay $0x1  }
0xa4: {  	s15 =	simm.s32 $_scs_section_size  }
0xa5: {  	s16 =	simm.s32 $_size__tile_overlayer_lowered;
	s17 =	simm.s32 $_tile_overlayer_lowered  }
0xa6: {  	s23 =	simm.s32 $0x1BFF;
	s22 =	sshll.u32 s17, $0x1;
	s14 =	sadd.s32 s15, s20  }
0xa7: {  	s21 =	sshll.u32 s16, $0x1;
	s18 =	simm.s32 $0x0;
	s16 =	sadd.s32 s22, s14  }
0xa8: {  	[timem:s18], [sflag:s23] =	dma.local [hbm:s16], s21  }
0xa9: {  	_ =	swait.ge [sflag:s23], s21  }
0xaa: {  	s15 =	ssub.s32 $0x0, s21;
	[sflag:s23] =	ssyncset.done $0x0  }
0xab: {  	[sflag:s23] =	ssyncadd.s32 s15;
	_ =	sdelay $0x1  }
0xac: {  	s24 =	simm.s32 $0x1B8B  }
0xad: {  	_ =	swait.ge [sflag:s24], $0x1  }
0xae: {  	[sflag:s24] =	ssyncset.done $0x0  }
0xaf: {  	s25 =	simm.s32 $0x1B8E;
	[sflag:s24] =	ssyncadd.s32 $0xFFFFFFFF  }
0xb0: {  	s26 =	simm.s32 $execute0_lowered;
	[smem:$0x3FD2] =	sst s25  }
0xb1: {  	s15 =	sshll.u32 s26, $0x1;
	_ =	strace $0x80000046;
	[dreg:$0x1] =	wrdreg $0xFFFFFFFF  }
0xb2: {  	s28 =	simm.s32 $_size_execute0_lowered;
	s14 =	sadd.s32 s14, s15;
	[dreg:$0x0] =	wrdreg $0x0  }
0xb3: {  	s15 =	sshll.u32 s28, $0x1;
	[dreg:$0x2] =	wrdreg s14  }
0xb4: {  	[dreg:$0x3] =	wrdreg s15  }
0xb5: {  	[dreg:$0x4] =	wrdreg $0xC0  }
0xb6: {  	_ =	task [dreg:s18], $0x5FFFF  }
0xb7: {  	[dreg:$0x1] =	wrdreg $0xFFFFFFFF  }
0xb8: {  	[dreg:$0x0] =	wrdreg $0x60  }
0xb9: {  	[dreg:$0x2] =	wrdreg s2  }
0xba: {  	[dreg:$0x3] =	wrdreg s19  }
0xbb: {  	[dreg:$0x4] =	wrdreg s4  }
0xbc: {  	[dreg:$0x5] =	wrdreg s5  }
0xbd: {  	[dreg:$0x6] =	wrdreg s6  }
0xbe: {  	[dreg:$0x7] =	wrdreg s7  }
0xbf: {  	[dreg:$0x8] =	wrdreg s8  }
0xc0: {  	[dreg:$0x9] =	wrdreg s9  }
0xc1: {  	[dreg:$0xa] =	wrdreg s10  }
0xc2: {  	[dreg:$0xb] =	wrdreg s11  }
0xc3: {  	[dreg:$0xc] =	wrdreg s12  }
0xc4: {  	[dreg:$0xd] =	wrdreg s13  }
0xc5: {  	[dreg:$0xe] =	wrdreg $0x9  }
0xc6: {  	_ =	task.clear_ibuf [dreg:s18], $0xFFFFF;
	_ =	strace $0x90000046  }
0xc7: {  	s29 =	simm.s32 $0x9;
	_ =	strace $0x80000048  }
0xc8: {  	_ =	swait.ge [sflag:s29], $0x1  }
0xc9: {  	[sflag:s29] =	ssyncadd.s32 $0xFFFFFFFF  }
0xca: {  	_ =	strace $0x90000048  }
0xcb: {  	_ =	sfence  }
0xcc: {  	s30 =	sld [smem:$0x0];
	_ =	sdelay $0x2  }
0xcd: {  	s31 =	sshll.u32 s1, $0xD;
	s1 =	sshrl.u32 s1, $0x2  }
0xce: {  	s3 =	sand.u32 $0x4000, s31;
	s1 =	sadd.s32 s1, s30  }
0xcf: {  	s0 =	sor.u32 s3, s0;
	s1 =	sshll.u32 s1, $0x11  }
0xd0: {  	s0 =	sor.u32 s1, s0  }
0xd1: {  	s0 =	sadd.s32 $0x8F2B, s0  }
0xd2: {  	[sflag:s0] =	ssyncadd.remote.s32 $0x1  }
0xd3: {  	_ =	sfence.sel $0xFFFF  }
0xd4: {  	[dreg:$0x0] =	wrdreg $0xFFFFFFFF;
	(pc) =	sbr.abs _section_cstart, $3  }
0xd5: {  	[dreg:$0x1] =	wrdreg $0xFFFFFFFF  }
0xd6: {  	_ =	task.clear_ibuf [dreg:s18], $0x2FFFF;
	_ =	strace $0x9FFFFFFF  }
0xd7: {  	(tm) =	ssettm $0x7FFFFFFF  }
tec
execute0_lowered:
.L_overlay_start_1:
0x0: {  	(tag) =	ssettag $0x1  }
0x1: {  	s0 =	rddreg [dreg:$0x0]  }
0x2: {  	s2 =	rddreg [dreg:$0x2]  }
0x3: {  	s1 =	rddreg [dreg:$0x5]  }
0x4: {  	s3 =	rddreg [dreg:$0x6]  }
0x5: {  	s4 =	rddreg [dreg:$0x7]  }
0x6: {  	s5 =	rddreg [dreg:$0x8]  }
0x7: {  	s6 =	rddreg [dreg:$0x9];
	s7 =	srdreg.scid  }
0x8: {  	s9 =	stileid.u32;
	s8 =	rddreg [dreg:$0xb];
	s18 =	simm.s32 $0x2780  }
0x9: {  	s21 =	simm.s32 $0x4880;
	s24 =	simm.s32 $0x15E00;
	s19 =	simm.s32 $0x4  }
0xa: {  	s20 =	simm.s32 $0x5;
	s7 =	sand.u32 $0x1, s7;
	s9 =	sshll.u32 s9, $0x1  }
0xb: {  	s22 =	simm.s32 $0x6;
	s10 =	sor.u32 s7, s9;
	s7 =	ssub.s32 $0x2, s7  }
0xc: {  	s23 =	simm.s32 $0x7;
	s10 =	smul.u32 $0x2710, s10;
	s11 =	sshrl.u32 s7, $0x1  }
0xd: {  	s17 =	simm.s32 $0x0;
	s9 =	simm.s32 $0x0;
	s7 =	ssub.s32 s7, s11  }
0xe: {  	[smem:$0x7FF] =	sst s9;
	s25 =	sshrl.u32 s10, $0x3;
	s31 =	smax.u32 s7, $0x1  }
0xf: {  	_ =	strace $0x80000047;
	s1 =	sadd.s32 s1, s25;
	[dreg:$0x12] =	wrdreg s31  }
.Ltmp0:
0x10: {  	s26 =	sadd.s32 s3, s25;
	[dreg:$0xd] =	wrdreg s1;
	(pc) =	sbr.rel .LBB2_1-.Ltmp0, $4  }
0x11: {  	s7 =	simm.s32 $0x3;
	s28 =	sadd.s32 s4, s25;
	[dreg:$0xe] =	wrdreg s26  }
0x12: {  	v2 =	vlaneseq.u32;
	s29 =	sadd.s32 s5, s25;
	s30 =	sadd.s32 s6, s25;
	[dreg:$0xf] =	wrdreg s28  }
0x13: {  	vm0 =	vmmov $0xff;
	v1 =	vshrl.u32 v2, $0x3;
	s3 =	simm.s32 $0x1;
	s4 =	simm.s32 $0x2;
	[dreg:$0x10] =	wrdreg s29  }
0x14: {  	v0 =	vand.u32 $0x7, v2;
	v2 =	vor.u32 $0x8, v2;
	v1 =	vmul.u32 $0x8, v1;
	s6 =	simm.s32 $0x0;
	[dreg:$0x11] =	wrdreg s30;
	s26 =	simm.s32 $0x10E00  }
.LBB2_11:
0x15: {  	s5 =	simm.s32 $0x8  }
0x16: {  	_ =	swait.ge [sflag:s5], $0x5000  }
0x17: {  	s6 =	rddreg [dreg:$0x13]  }
0x18: {  	s1 =	rddreg [dreg:$0x12];
	s6 =	sadd.s32 $0x1, s6  }
0x19: {  	p0 =	sne.s32 s6, s1  }
.Ltmp1:
0x1a: {  	_ = 	snop;
	(pc) =	sbr.rel @!p0 .LBB2_12-.Ltmp1, $3  }
0x1b: {  	_ =	sdelay $0x1  }
0x1c: {  	[sflag:s5] =	ssyncset.done $0x0  }
0x1d: {  	[sflag:s5] =	ssyncadd.s32 $0xFFFFB000  }
.LBB2_1:
0x1e: {  	[dreg:$0x13] =	wrdreg s6  }
0x1f: {  	s1 =	rddreg [dreg:$0x1];
	s5 =	simm.s32 $0x9  }
0x20: {  	[tilespmem:s9], [sflag:$0x9] =	stream.linear.gather [hbm4b:s1+s9], $0x2780, $0x38;
	[tilespmem:$0x1AE00] =	vst v63  }
0x21: {  	_ =	swait.ge [sflag:s5], $0x2780  }
0x22: {  	[sflag:s5] =	ssyncset.done $0x0  }
0x23: {  	[sflag:s5] =	ssyncadd.s32 $0xFFFFD880  }
0x24: {  	s29 =	rddreg [dreg:$0xa]  }
0x25: {  	[tilespmem:s18], [sflag:$0x9] =	stream.linear.gather [hbm4b:s29+s9], $0x2000, $0x38;
	[tilespmem:$0x1AE00] =	vst v63  }
0x26: {  	_ =	swait.ge [sflag:s5], $0x2000  }
0x27: {  	[sflag:s5] =	ssyncset.done $0x0  }
0x28: {  	[sflag:s5] =	ssyncadd.s32 $0xFFFFE000  }
0x29: {  	s31 =	simm.s32 $0x4780;
	s30 =	rddreg [dreg:$0x3]  }
0x2a: {  	[tilespmem:s31], [sflag:$0x9] =	stream.linear.gather [hbm4b:s30+s9], $0x80, $0x38;
	[tilespmem:$0x1AE00] =	vst v63  }
0x2b: {  	_ =	swait.ge [sflag:s5], $0x80  }
0x2c: {  	[sflag:s5] =	ssyncset.done $0x0  }
0x2d: {  	[sflag:s5] =	ssyncadd.s32 $0xFFFFFF80  }
0x2e: {  	s12 =	simm.s32 $0x4800;
	s11 =	rddreg [dreg:$0x4]  }
0x2f: {  	[tilespmem:s12], [sflag:$0x9] =	stream.linear.gather [hbm4b:s11+s9], $0x80, $0x38;
	[tilespmem:$0x1AE00] =	vst v63  }
0x30: {  	_ =	swait.ge [sflag:s5], $0x80  }
0x31: {  	[sflag:s5] =	ssyncset.done $0x0  }
0x32: {  	s13 =	rddreg [dreg:$0xd];
	[sflag:s5] =	ssyncadd.s32 $0xFFFFFF80  }
0x33: {  	[tilespmem:s21], [sflag:$0x9] =	stream.linear.gather [hbm4b:s13+s9], $0x2710, $0x38;
	[tilespmem:$0x1AE00] =	vst v63  }
0x34: {  	_ =	swait.ge [sflag:s5], $0x2710  }
0x35: {  	[sflag:s5] =	ssyncset.done $0x0  }
0x36: {  	s15 =	simm.s32 $0x7000;
	s14 =	rddreg [dreg:$0xe];
	[sflag:s5] =	ssyncadd.s32 $0xFFFFD8F0  }
0x37: {  	[tilespmem:s15], [sflag:$0x9] =	stream.linear.gather [hbm4b:s14+s9], $0x2710, $0x38;
	[tilespmem:$0x1AE00] =	vst v63  }
0x38: {  	_ =	swait.ge [sflag:s5], $0x2710  }
0x39: {  	[sflag:s5] =	ssyncset.done $0x0  }
0x3a: {  	s25 =	simm.s32 $0x9780;
	s16 =	rddreg [dreg:$0xf];
	[sflag:s5] =	ssyncadd.s32 $0xFFFFD8F0  }
0x3b: {  	[tilespmem:s25], [sflag:$0x9] =	stream.linear.gather [hbm4b:s16+s9], $0x2710, $0x38;
	[tilespmem:$0x1AE00] =	vst v63  }
0x3c: {  	_ =	swait.ge [sflag:s5], $0x2710  }
0x3d: {  	[sflag:s5] =	ssyncset.done $0x0  }
0x3e: {  	s29 =	simm.s32 $0xBF00;
	s28 =	rddreg [dreg:$0x10];
	[sflag:s5] =	ssyncadd.s32 $0xFFFFD8F0  }
0x3f: {  	[tilespmem:s29], [sflag:$0x9] =	stream.linear.gather [hbm4b:s28+s9], $0x2710, $0x38;
	[tilespmem:$0x1AE00] =	vst v63  }
0x40: {  	_ =	swait.ge [sflag:s5], $0x2710  }
0x41: {  	[sflag:s5] =	ssyncset.done $0x0  }
0x42: {  	s31 =	simm.s32 $0xE680;
	s30 =	rddreg [dreg:$0x11];
	[sflag:s5] =	ssyncadd.s32 $0xFFFFD8F0  }
0x43: {  	[tilespmem:s31], [sflag:$0x9] =	stream.linear.gather [hbm4b:s30+s9], $0x2710, $0x38;
	[tilespmem:$0x1AE00] =	vst v63  }
0x44: {  	_ =	swait.ge [sflag:s5], $0x2710  }
0x45: {  	[sflag:s5] =	ssyncset.done $0x0  }
0x46: {  	s11 =	simm.s32 $0xE6A0;
	[sflag:s5] =	ssyncadd.s32 $0xFFFFD8F0  }
0x47: {  	v3 =	vld [tilespmem:s11+$0x10]  }
0x48: {  	v4 =	vld [tilespmem:s11+$0xFFFFFFF0]  }
0x49: {  	v5 =	vld [tilespmem:s11+$0xFFFFFFE0]  }
0x4a: {  	s12 =	simm.s32 $0xE6E0;
	v6 =	vld [tilespmem:s11+$0x0]  }
0x4b: {  	v7 =	vld [tilespmem:s12+$0x10]  }
0x4c: {  	v12 =	vld [tilespmem:s12+$0xFFFFFFF0]  }
0x4d: {  	s11 =	simm.s32 $0x48A0;
	v13 =	vld [tilespmem:s12+$0xFFFFFFE0]  }
0x4e: {  	v9 =	vld [tilespmem:s11+$0x10]  }
0x4f: {  	v14 =	vld [tilespmem:s11+$0xFFFFFFE0]  }
0x50: {  	v15 =	vld [tilespmem:s11+$0xFFFFFFF0]  }
0x51: {  	v8 =	vld [tilespmem:s11+$0x0]  }
0x52: {  	v3 =	vld.idx.msk [tilespmem:v3+s9+$0x0], $0xffff  }
0x53: {  	v11 =	vld.idx.msk [tilespmem:v4+s9+$0x0], $0xffff  }
0x54: {  	v10 =	vld.idx.msk [tilespmem:v5+s9+$0x0], $0xffff  }
0x55: {  	v4 =	vld [tilespmem:s12+$0x0]  }
0x56: {  	v5 =	vld.idx.msk [tilespmem:v6+s9+$0x0], $0xffff  }
0x57: {  	v7 =	vld.idx.msk [tilespmem:v7+s9+$0x0], $0xffff;
	s12 =	simm.s32 $0x48E0  }
0x58: {  	v3 =	vsub.f32 v9, v3;
	v9 =	vld [tilespmem:s12+$0x10]  }
0x59: {  	v6 =	vld.idx.msk [tilespmem:v12+s9+$0x0], $0xffff;
	v10 =	vsub.f32 v14, v10  }
0x5a: {  	s13 =	simm.s32 $0x40;
	s14 =	simm.s32 $0xE720;
	v11 =	vsub.f32 v15, v11;
	[tilespmem:s11+$0x10] =	vst v3;
	v3 =	vld.idx.msk [tilespmem:v13+s9+$0x0], $0xffff  }
.LBB2_2:
0x5b: {  	v12 =	vld [tilespmem:s14+$0x10];
	s13 =	sadd.s32 $0x40, s13;
	[tilespmem:s11+$0xFFFFFFE0] =	vst v10;
	v5 =	vsub.f32 v8, v5  }
0x5c: {  	v10 =	vld [tilespmem:s14+$0xFFFFFFF0];
	p0 =	slt.u32 s13, $0x26C0;
	[tilespmem:s11+$0xFFFFFFF0] =	vst v11  }
0x5d: {  	v11 =	vld [tilespmem:s14+$0x0];
	v7 =	vsub.f32 v9, v7;
	[tilespmem:s11+$0x0] =	vst v5;
	s11 =	smov.u32 s12  }
0x5e: {  	v13 =	vld [tilespmem:s14+$0xFFFFFFE0]  }
0x5f: {  	v14 =	vmov v6;
	v5 =	vld.idx.msk [tilespmem:v4+s9+$0x0], $0xffff;
	[tilespmem:s12+$0x10] =	vst v7  }
0x60: {  	v15 =	vld [tilespmem:s12+$0xFFFFFFE0]  }
0x61: {  	v16 =	vld [tilespmem:s12+$0xFFFFFFF0]  }
.Ltmp2:
0x62: {  	v8 =	vld [tilespmem:s12+$0x0];
	v4 =	vmov v11;
	(pc) =	sbr.rel @p0 .LBB2_2-.Ltmp2, $4  }
0x63: {  	s12 =	sadd.s32 $0x40, s12;
	v7 =	vld.idx.msk [tilespmem:v12+s9+$0x0], $0xffff  }
0x64: {  	v9 =	vld [tilespmem:s12+$0x10]  }
0x65: {  	v6 =	vld.idx.msk [tilespmem:v10+s9+$0x0], $0xffff;
	v10 =	vsub.f32 v15, v3  }
0x66: {  	s14 =	sadd.s32 $0x40, s14;
	v3 =	vld.idx.msk [tilespmem:v13+s9+$0x0], $0xffff;
	v11 =	vsub.f32 v16, v14  }
0x67: {  	_ =	sdelay $0x3  }
0x68: {  	v4 =	vld.idx.msk [tilespmem:v4+s9+$0x0], $0xffff  }
0x69: {  	v12 =	vld [tilespmem:s12+$0xFFFFFFE0]  }
0x6a: {  	v13 =	vld [tilespmem:s12+$0xFFFFFFF0]  }
0x6b: {  	v14 =	vld [tilespmem:s12+$0x0]  }
0x6c: {  	[tilespmem:s11+$0xFFFFFFE0] =	vst v10;
	v5 =	vsub.f32 v8, v5  }
0x6d: {  	[tilespmem:s11+$0xFFFFFFF0] =	vst v11;
	v7 =	vsub.f32 v9, v7  }
0x6e: {  	[tilespmem:s11+$0x0] =	vst v5;
	v3 =	vsub.f32 v12, v3  }
0x6f: {  	[tilespmem:s12+$0x10] =	vst v7;
	v5 =	vsub.f32 v13, v6  }
0x70: {  	[tilespmem:s12+$0xFFFFFFE0] =	vst v3;
	v3 =	vsub.f32 v14, v4  }
0x71: {  	[tilespmem:s12+$0xFFFFFFF0] =	vst v5  }
0x72: {  	[tilespmem:s12+$0x0] =	vst v3  }
0x73: {  	v3 =	vld [tilespmem:$0x10D80]  }
0x74: {  	v17 =	vld [tilespmem:$0x6F80]  }
0x75: {  	v4 =	vld [tilespmem:$0x4790]  }
0x76: {  	v5 =	vld [tilespmem:$0x47A0]  }
0x77: {  	v6 =	vld [tilespmem:$0x47B0]  }
0x78: {  	v7 =	vld [tilespmem:$0x47C0]  }
0x79: {  	v15 =	vld [tilespmem:$0x7000]  }
0x7a: {  	v8 =	vld [tilespmem:$0x47D0]  }
0x7b: {  	v9 =	vld [tilespmem:$0x47E0]  }
0x7c: {  	v10 =	vld [tilespmem:$0x47F0]  }
0x7d: {  	v11 =	vld [tilespmem:$0x4800]  }
0x7e: {  	v16 =	vld.idx.msk [tilespmem:v3+s17+$0x0], $0xffff  }
0x7f: {  	v12 =	vld [tilespmem:$0x4810];
	v18 =	vperm.xlane v15, v0  }
0x80: {  	v13 =	vld [tilespmem:$0x4820]  }
0x81: {  	v14 =	vld [tilespmem:$0x4830];
	v19 =	vadd.s32 v1, v18;
	v18 =	vperm.xlane v15, v2  }
0x82: {  	v15 =	vld [tilespmem:$0x4840]  }
0x83: {  	v3 =	vld [tilespmem:$0x4780];
	v21 =	vadd.s32 v1, v18;
	v20 =	vsub.f32 v17, v16  }
0x84: {  	v18 =	vld [tilespmem:$0x4870]  }
0x85: {  	v16 =	vld [tilespmem:$0x4850];
	[tilespmem:$0x6F80] =	vst v20  }
0x86: {  	v17 =	vld [tilespmem:$0x4860];
	[tilespmem:s26], [sflag:$0x1] =	stream.indirect_vreg.gather [hbm4b:s0+s17], $0x80, v19, vm0, $0xb8  }
0x87: {  	s1 =	simm.s32 $0x11E00  }
0x88: {  	[tilespmem:s1], [sflag:$0x1] =	stream.indirect_vreg.gather [hbm4b:s0+s17], $0x80, v21, vm0, $0xb8;
	[tilespmem:$0x1AE00] =	vst v63  }
0x89: {  	v19 =	vld [tilespmem:$0x7010];
	_ =	sdelay $0x4  }
0x8a: {  	v20 =	vperm.xlane v19, v0;
	_ =	sdelay $0x1  }
0x8b: {  	v19 =	vperm.xlane v19, v2;
	v20 =	vadd.s32 v1, v20;
	_ =	sdelay $0x1  }
0x8c: {  	v19 =	vadd.s32 v1, v19;
	_ =	sdelay $0x1  }
0x8d: {  	s5 =	simm.s32 $0x12E00  }
0x8e: {  	[tilespmem:s5], [sflag:$0x1] =	stream.indirect_vreg.gather [hbm4b:s0+s17], $0x80, v20, vm0, $0xb8;
	[tilespmem:$0x1AE00] =	vst v63  }
0x8f: {  	s6 =	simm.s32 $0x13E00  }
0x90: {  	[tilespmem:s6], [sflag:$0x1] =	stream.indirect_vreg.gather [hbm4b:s0+s17], $0x80, v19, vm0, $0xb8;
	[tilespmem:$0x1AE00] =	vst v63  }
0x91: {  	v19 =	vld.msk [tilespmem:$0x7020], $0xff;
	_ =	sdelay $0x4  }
0x92: {  	v19 =	vperm.xlane v19, v0;
	_ =	sdelay $0x1  }
0x93: {  	v19 =	vadd.s32 v1, v19;
	_ =	sdelay $0x3  }
0x94: {  	s11 =	simm.s32 $0x14E00  }
0x95: {  	[tilespmem:s11], [sflag:$0x1] =	stream.indirect_vreg.gather [hbm4b:s0+s17], $0x80, v19, vm0, $0xb8;
	[tilespmem:$0x1AE00] =	vst v63  }
0x96: {  	v19 =	vld [tilespmem:$0x9780];
	_ =	sdelay $0x4  }
0x97: {  	v20 =	vperm.xlane v19, v0;
	_ =	sdelay $0x1  }
0x98: {  	v19 =	vperm.xlane v19, v2;
	v20 =	vadd.s32 v1, v20;
	_ =	sdelay $0x1  }
0x99: {  	v19 =	vadd.s32 v1, v19;
	_ =	sdelay $0x1  }
0x9a: {  	s12 =	simm.s32 $0x11200  }
0x9b: {  	[tilespmem:s12], [sflag:$0x2] =	stream.indirect_vreg.gather [hbm4b:s0+s17], $0x80, v20, vm0, $0xb8;
	[tilespmem:$0x1AE00] =	vst v63  }
0x9c: {  	s13 =	simm.s32 $0x12200  }
0x9d: {  	[tilespmem:s13], [sflag:$0x2] =	stream.indirect_vreg.gather [hbm4b:s0+s17], $0x80, v19, vm0, $0xb8;
	[tilespmem:$0x1AE00] =	vst v63  }
0x9e: {  	v19 =	vld [tilespmem:$0x9790];
	_ =	sdelay $0x4  }
0x9f: {  	v20 =	vperm.xlane v19, v0;
	_ =	sdelay $0x1  }
0xa0: {  	v19 =	vperm.xlane v19, v2;
	v20 =	vadd.s32 v1, v20;
	_ =	sdelay $0x1  }
0xa1: {  	v19 =	vadd.s32 v1, v19;
	_ =	sdelay $0x1  }
0xa2: {  	s14 =	simm.s32 $0x13200  }
0xa3: {  	[tilespmem:s14], [sflag:$0x2] =	stream.indirect_vreg.gather [hbm4b:s0+s17], $0x80, v20, vm0, $0xb8;
	[tilespmem:$0x1AE00] =	vst v63  }
0xa4: {  	s15 =	simm.s32 $0x14200  }
0xa5: {  	[tilespmem:s15], [sflag:$0x2] =	stream.indirect_vreg.gather [hbm4b:s0+s17], $0x80, v19, vm0, $0xb8;
	[tilespmem:$0x1AE00] =	vst v63  }
0xa6: {  	v19 =	vld.msk [tilespmem:$0x97A0], $0xff;
	_ =	sdelay $0x4  }
0xa7: {  	v19 =	vperm.xlane v19, v0;
	_ =	sdelay $0x1  }
0xa8: {  	v19 =	vadd.s32 v1, v19;
	_ =	sdelay $0x3  }
0xa9: {  	s16 =	simm.s32 $0x15200  }
0xaa: {  	[tilespmem:s16], [sflag:$0x2] =	stream.indirect_vreg.gather [hbm4b:s0+s17], $0x80, v19, vm0, $0xb8;
	[tilespmem:$0x1AE00] =	vst v63  }
0xab: {  	v19 =	vld [tilespmem:$0xBF00];
	_ =	sdelay $0x4  }
0xac: {  	v20 =	vperm.xlane v19, v0;
	_ =	sdelay $0x1  }
0xad: {  	v19 =	vperm.xlane v19, v2;
	v20 =	vadd.s32 v1, v20;
	_ =	sdelay $0x1  }
0xae: {  	v19 =	vadd.s32 v1, v19;
	_ =	sdelay $0x1  }
0xaf: {  	s25 =	simm.s32 $0x11A00  }
0xb0: {  	[tilespmem:s25], [sflag:$0x3] =	stream.indirect_vreg.gather [hbm4b:s2+s17], $0x80, v20, vm0, $0xb8;
	[tilespmem:$0x1AE00] =	vst v63  }
0xb1: {  	s28 =	simm.s32 $0x12A00  }
0xb2: {  	[tilespmem:s28], [sflag:$0x3] =	stream.indirect_vreg.gather [hbm4b:s2+s17], $0x80, v19, vm0, $0xb8;
	[tilespmem:$0x1AE00] =	vst v63  }
0xb3: {  	v19 =	vld [tilespmem:$0xBF10];
	_ =	sdelay $0x4  }
0xb4: {  	v20 =	vperm.xlane v19, v0;
	_ =	sdelay $0x1  }
0xb5: {  	v19 =	vperm.xlane v19, v2;
	v20 =	vadd.s32 v1, v20;
	_ =	sdelay $0x1  }
0xb6: {  	v19 =	vadd.s32 v1, v19;
	_ =	sdelay $0x1  }
0xb7: {  	s29 =	simm.s32 $0x13A00  }
0xb8: {  	[tilespmem:s29], [sflag:$0x3] =	stream.indirect_vreg.gather [hbm4b:s2+s17], $0x80, v20, vm0, $0xb8;
	[tilespmem:$0x1AE00] =	vst v63  }
0xb9: {  	s30 =	simm.s32 $0x14A00  }
0xba: {  	[tilespmem:s30], [sflag:$0x3] =	stream.indirect_vreg.gather [hbm4b:s2+s17], $0x80, v19, vm0, $0xb8;
	[tilespmem:$0x1AE00] =	vst v63  }
0xbb: {  	v19 =	vld.msk [tilespmem:$0xBF20], $0xff;
	_ =	sdelay $0x4  }
0xbc: {  	v19 =	vperm.xlane v19, v0;
	_ =	sdelay $0x1  }
0xbd: {  	v19 =	vadd.s32 v1, v19  }
.Ltmp3:
0xbe: {  	_ = 	snop;
	(pc) =	sbr.rel .LBB2_4-.Ltmp3, $3  }
0xbf: {  	_ =	sdelay $0x1  }
0xc0: {  	s31 =	simm.s32 $0x15A00;
	s11 =	simm.s32 $0x0;
	s25 =	simm.s32 $0x0  }
0xc1: {  	[tilespmem:s31], [sflag:$0x3] =	stream.indirect_vreg.gather [hbm4b:s2+s17], $0x80, v19, vm0, $0xb8;
	[tilespmem:$0x1AE00] =	vst v63  }
.LBB2_10:
0xc2: {  	_ =	swait.ge [sflag:s20], $0x1400  }
0xc3: {  	[sflag:s20] =	ssyncset.done $0x0  }
0xc4: {  	[sflag:s20] =	ssyncadd.s32 $0xFFFFEC00  }
0xc5: {  	s11 =	sadd.s32 $0x1, s11;
	_ =	swait.ge [sflag:s22], $0x1400  }
0xc6: {  	p0 =	sne.s32 s11, $0x7D;
	[sflag:s22] =	ssyncset.done $0x0  }
.Ltmp4:
0xc7: {  	[sflag:s22] =	ssyncadd.s32 $0xFFFFEC00;
	(pc) =	sbr.rel @!p0 .LBB2_11-.Ltmp4, $4  }
0xc8: {  	s1 =	sadd.s32 s10, s13;
	_ =	swait.ge [sflag:s23], $0x1400  }
0xc9: {  	s1 =	sshll.u32 s1, $0x6;
	[sflag:s23] =	ssyncset.done $0x0  }
0xca: {  	s25 =	sadd.s32 $0x50, s25;
	s1 =	sadd.s32 s8, s1;
	[sflag:s23] =	ssyncadd.s32 $0xFFFFEC00  }
0xcb: {  	[hbm4b:s1+s9] =	stream.linear.scatter [tilespmem:s24], [sflag:$0x8], $0x5000, $0x38;
	[tilespmem:$0x1AE00] =	vst v63  }
.LBB2_4:
0xcc: {  	s12 =	sadd.s32 $0xFFFFFFFE, s25  }
0xcd: {  	s13 =	sadd.s32 $0x2, s12;
	s12 =	sadd.s32 $0x3, s12  }
0xce: {  	v20 =	vmov s12;
	_ =	sdelay $0x1  }
0xcf: {  	v19 =	vmov s13;
	s13 =	sadd.s32 $0x0, s25  }
0xd0: {  	s12 =	sadd.s32 $0x3, s13  }
0xd1: {  	v19 =	vand.u32 $0xFFFFFFFE, v19;
	v35 =	vmov s12  }
0xd2: {  	v19 =	vbroadcast v19, $0x0;
	v20 =	vld.idx.msk [tilespmem:v20+s21+$0x0], $0xffff  }
0xd3: {  	s14 =	sadd.s32 $0x2, s13  }
0xd4: {  	v34 =	vmov s14  }
0xd5: {  	v34 =	vand.u32 $0xFFFFFFFE, v34  }
0xd6: {  	v34 =	vbroadcast v34, $0x0;
	v35 =	vld.idx.msk [tilespmem:v35+s21+$0x0], $0xffff  }
0xd7: {  	v21 =	vmul.f32 v20, v3;
	v22 =	vmul.f32 v20, v4  }
0xd8: {  	s15 =	simm.s32 $0x80;
	s16 =	sand.u32 $0x7000, s17;
	v19 =	vld.idx.msk [tilespmem:v19+s21+$0x0], $0xffff;
	v24 =	vmul.f32 v20, v5;
	v28 =	vmul.f32 v20, v6  }
0xd9: {  	s1 =	sadd.s32 $0x2, s25;
	s14 =	sor.u32 $0x10E00, s16;
	s12 =	sand.u32 $0x380, s15;
	v30 =	vmul.f32 v20, v7;
	v32 =	vmul.f32 v20, v8  }
0xda: {  	s13 =	sadd.s32 s12, s14;
	s12 =	sadd.s32 $0x3, s1;
	v36 =	vmul.f32 v20, v9;
	v20 =	vmul.f32 v20, v10  }
0xdb: {  	v55 =	vmov s12;
	v39 =	vmul.f32 v35, v5;
	v42 =	vmul.f32 v35, v6  }
0xdc: {  	v21 =	vadd.f32 v21, v11;
	v53 =	vmul.f32 v35, v7;
	v44 =	vmul.f32 v35, v8  }
0xdd: {  	v22 =	vadd.f32 v22, v12;
	v56 =	vmul.f32 v35, v9;
	v23 =	vmul.f32 v19, v3  }
0xde: {  	v24 =	vadd.f32 v24, v13;
	v25 =	vmul.f32 v19, v5;
	v26 =	vmul.f32 v19, v10  }
0xdf: {  	v28 =	vadd.f32 v28, v14;
	v27 =	vmul.f32 v19, v6;
	v29 =	vmul.f32 v19, v4  }
0xe0: {  	v30 =	vadd.f32 v30, v15;
	v31 =	vmul.f32 v19, v7;
	v33 =	vmul.f32 v19, v8  }
0xe1: {  	v32 =	vadd.f32 v32, v16;
	v19 =	vmul.f32 v19, v9;
	v21 =	vtrunc.f32 v21  }
0xe2: {  	v36 =	vadd.f32 v36, v17;
	v22 =	vtrunc.f32 v22;
	v24 =	vtrunc.f32 v24  }
0xe3: {  	v28 =	vtrunc.f32 v28;
	v30 =	vtrunc.f32 v30;
	v23 =	vadd.f32 v23, v11  }
0xe4: {  	v20 =	vadd.f32 v20, v18;
	v32 =	vtrunc.f32 v32;
	v36 =	vtrunc.f32 v36  }
0xe5: {  	v34 =	vld.idx.msk [tilespmem:v34+s21+$0x0], $0xffff;
	v39 =	vadd.f32 v39, v13;
	v21 =	vcvt.f32.s32 v21;
	v23 =	vtrunc.f32 v23  }
0xe6: {  	v42 =	vadd.f32 v42, v14;
	v25 =	vadd.f32 v25, v13;
	v23 =	vcvt.f32.s32 v23  }
0xe7: {  	v22 =	vcvt.f32.s32 v22;
	v29 =	vadd.f32 v29, v12;
	v21 =	vand.u32 $0x1FFF, v21  }
0xe8: {  	v28 =	vcvt.f32.s32 v28;
	v30 =	vcvt.f32.s32 v30;
	v23 =	vand.u32 $0x1FFF, v23  }
0xe9: {  	v27 =	vadd.f32 v27, v14;
	v32 =	vcvt.f32.s32 v32;
	v24 =	vcvt.f32.s32 v24  }
0xea: {  	v33 =	vadd.f32 v33, v16;
	v36 =	vcvt.f32.s32 v36;
	v40 =	vmul.f32 v34, v10  }
0xeb: {  	v19 =	vadd.f32 v19, v17;
	v41 =	vmul.f32 v34, v6;
	v29 =	vtrunc.f32 v29  }
0xec: {  	v38 =	vadd.f32 v26, v18;
	v43 =	vmul.f32 v34, v7;
	v29 =	vcvt.f32.s32 v29;
	v21 =	vld.idx.msk [tilespmem:v21+s18+$0x0], $0xffff  }
0xed: {  	v52 =	vtrunc.f32 v42;
	v25 =	vtrunc.f32 v25;
	v22 =	vand.u32 $0x1FFF, v22;
	v23 =	vld.idx.msk [tilespmem:v23+s18+$0x0], $0xffff  }
0xee: {  	v33 =	vtrunc.f32 v33;
	v19 =	vtrunc.f32 v19;
	v29 =	vand.u32 $0x1FFF, v29  }
0xef: {  	s15 =	simm.s32 $0x0;
	v42 =	vadd.f32 v53, v15;
	v37 =	vcvt.f32.s32 v19;
	v19 =	vtrunc.f32 v20  }
0xf0: {  	s31 =	sand.u32 $0x300, s15;
	v24 =	vand.u32 $0x1FFF, v24;
	v20 =	vtrunc.f32 v27;
	v27 =	vmul.f32 v35, v3  }
0xf1: {  	s14 =	sadd.s32 s31, s14;
	v28 =	vand.u32 $0x1FFF, v28;
	v41 =	vadd.f32 v41, v14;
	v32 =	vand.u32 $0x1FFF, v32;
	[tilespmem:s13+$0x800] =	vst v21  }
0xf2: {  	v38 =	vtrunc.f32 v38;
	v25 =	vcvt.f32.s32 v25;
	v27 =	vadd.f32 v27, v11;
	v22 =	vld.idx.msk [tilespmem:v22+s18+$0x0], $0xffff;
	[tilespmem:s14+$0x800] =	vst v23  }
0xf3: {  	v62 =	vadd.f32 v43, v15;
	v33 =	vcvt.f32.s32 v33;
	v26 =	vcvt.f32.s32 v19;
	v29 =	vld.idx.msk [tilespmem:v29+s18+$0x0], $0xffff  }
0xf4: {  	v25 =	vand.u32 $0x1FFF, v25;
	v27 =	vtrunc.f32 v27;
	v21 =	vmul.f32 v34, v3  }
0xf5: {  	v19 =	vcvt.f32.s32 v20;
	v20 =	vadd.f32 v31, v15;
	v27 =	vcvt.f32.s32 v27  }
0xf6: {  	v38 =	vcvt.f32.s32 v38;
	v31 =	vmul.f32 v35, v4;
	v21 =	vadd.f32 v21, v11  }
0xf7: {  	v60 =	vtrunc.f32 v41;
	v20 =	vtrunc.f32 v20;
	[tilespmem:s13+$0x810] =	vst v22;
	v22 =	vand.u32 $0x1FFF, v27  }
0xf8: {  	v31 =	vadd.f32 v31, v12;
	v20 =	vcvt.f32.s32 v20;
	v21 =	vtrunc.f32 v21;
	v24 =	vld.idx.msk [tilespmem:v24+s18+$0x0], $0xffff;
	[tilespmem:s14+$0x810] =	vst v29  }
0xf9: {  	v19 =	vand.u32 $0x1FFF, v19;
	v23 =	vmul.f32 v34, v5;
	v21 =	vcvt.f32.s32 v21;
	v25 =	vld.idx.msk [tilespmem:v25+s18+$0x0], $0xffff  }
0xfa: {  	v27 =	vtrunc.f32 v31;
	v29 =	vand.u32 $0x1FFF, v30;
	v30 =	vmul.f32 v34, v4  }
0xfb: {  	v23 =	vadd.f32 v23, v13;
	v21 =	vand.u32 $0x1FFF, v21;
	v27 =	vcvt.f32.s32 v27  }
0xfc: {  	v31 =	vtrunc.f32 v39;
	v39 =	vcvt.f32.s32 v52;
	v30 =	vadd.f32 v30, v12;
	v22 =	vld.idx.msk [tilespmem:v22+s18+$0x0], $0xffff  }
0xfd: {  	s28 =	simm.s32 $0x400;
	v23 =	vtrunc.f32 v23;
	v31 =	vcvt.f32.s32 v31;
	v45 =	vand.u32 $0x1FFF, v27;
	[tilespmem:s13+$0x820] =	vst v24  }
0xfe: {  	s6 =	simm.s32 $0x180;
	s5 =	sadd.s32 $0x2, s1;
	s16 =	sand.u32 $0x7000, s28;
	v20 =	vand.u32 $0x1FFF, v20;
	v24 =	vmul.f32 v34, v8;
	v27 =	vld.idx.msk [tilespmem:v28+s18+$0x0], $0xffff;
	[tilespmem:s14+$0x820] =	vst v25;
	v25 =	vtrunc.f32 v30  }
0xff: {  	s16 =	sor.u32 $0x10E00, s16;
	s12 =	sand.u32 $0x380, s6;
	v30 =	vadd.f32 v44, v16;
	v54 =	vld.idx.msk [tilespmem:v19+s18+$0x0], $0xffff;
	v19 =	vmov s5;
	v25 =	vcvt.f32.s32 v25  }
0x100: {  	s15 =	sadd.s32 s12, s16;
	v23 =	vcvt.f32.s32 v23;
	v47 =	vld.idx.msk [tilespmem:v21+s18+$0x0], $0xffff;
	v24 =	vadd.f32 v24, v16;
	v19 =	vand.u32 $0xFFFFFFFE, v19  }
0x101: {  	[tilespmem:s15+$0x800] =	vst v22;
	v30 =	vtrunc.f32 v30;
	v46 =	vbroadcast v19, $0x0;
	v25 =	vand.u32 $0x1FFF, v25  }
0x102: {  	s29 =	simm.s32 $0x100;
	v33 =	vand.u32 $0x1FFF, v33;
	v21 =	vtrunc.f32 v24;
	v59 =	vld.idx.msk [tilespmem:v45+s18+$0x0], $0xffff;
	v19 =	vcvt.f32.s32 v30  }
0x103: {  	s31 =	sand.u32 $0x300, s29;
	v30 =	vmul.f32 v34, v9;
	[tilespmem:s13+$0x830] =	vst v27;
	v27 =	vcvt.f32.s32 v21;
	v34 =	vadd.f32 v56, v17;
	v21 =	vld.idx.msk [tilespmem:v55+s21+$0x0], $0xffff  }
0x104: {  	s16 =	sadd.s32 s31, s16;
	v31 =	vand.u32 $0x1FFF, v31;
	v28 =	vtrunc.f32 v42;
	v24 =	vmul.f32 v35, v10;
	v29 =	vld.idx.msk [tilespmem:v29+s18+$0x0], $0xffff;
	[tilespmem:s14+$0x830] =	vst v54  }
0x105: {  	v58 =	vand.u32 $0x1FFF, v23;
	v28 =	vcvt.f32.s32 v28;
	[tilespmem:s16+$0x800] =	vst v47;
	v23 =	vtrunc.f32 v34;
	v57 =	vld.idx.msk [tilespmem:v20+s18+$0x0], $0xffff  }
0x106: {  	v20 =	vadd.f32 v30, v17;
	v30 =	vadd.f32 v24, v18;
	v24 =	vcvt.f32.s32 v23;
	v61 =	vld.idx.msk [tilespmem:v25+s18+$0x0], $0xffff  }
0x107: {  	v48 =	vand.u32 $0x1FFF, v26;
	[tilespmem:s15+$0x810] =	vst v59;
	v59 =	vtrunc.f32 v62;
	v25 =	vcvt.f32.s32 v60;
	v26 =	vld.idx.msk [tilespmem:v46+s21+$0x0], $0xffff  }
0x108: {  	v36 =	vand.u32 $0x1FFF, v36;
	v63 =	vmul.f32 v21, v3;
	v49 =	vmul.f32 v21, v4  }
0x109: {  	v39 =	vand.u32 $0x1FFF, v39;
	v50 =	vmul.f32 v21, v5;
	v31 =	vld.idx.msk [tilespmem:v31+s18+$0x0], $0xffff;
	v55 =	vmul.f32 v21, v6;
	[tilespmem:s13+$0x840] =	vst v29  }
0x10a: {  	v23 =	vadd.f32 v40, v18;
	v62 =	vcvt.f32.s32 v59;
	v20 =	vtrunc.f32 v20;
	v32 =	vld.idx.msk [tilespmem:v32+s18+$0x0], $0xffff  }
0x10b: {  	v22 =	vtrunc.f32 v30;
	v30 =	vand.u32 $0x1FFF, v37;
	v40 =	vadd.f32 v49, v12;
	[tilespmem:s14+$0x840] =	vst v57  }
0x10c: {  	v20 =	vcvt.f32.s32 v20;
	v44 =	vadd.f32 v55, v14;
	v29 =	vld.idx.msk [tilespmem:v33+s18+$0x0], $0xffff;
	v51 =	vmul.f32 v26, v3  }
0x10d: {  	v22 =	vcvt.f32.s32 v22;
	v33 =	vadd.f32 v63, v11;
	[tilespmem:s16+$0x810] =	vst v61;
	v61 =	vtrunc.f32 v40  }
0x10e: {  	[tilespmem:s15+$0x820] =	vst v31;
	v31 =	vtrunc.f32 v44;
	v63 =	vmul.f32 v21, v7;
	v54 =	vadd.f32 v51, v11  }
0x10f: {  	v43 =	vand.u32 $0x1FFF, v25;
	v52 =	vmul.f32 v26, v5;
	v56 =	vld.idx.msk [tilespmem:v58+s18+$0x0], $0xffff;
	v33 =	vtrunc.f32 v33;
	[tilespmem:s13+$0x850] =	vst v32  }
0x110: {  	v57 =	vadd.f32 v50, v13;
	v33 =	vcvt.f32.s32 v33;
	v60 =	vld.idx.msk [tilespmem:v36+s18+$0x0], $0xffff;
	v58 =	vtrunc.f32 v54  }
0x111: {  	v40 =	vmul.f32 v21, v8;
	[tilespmem:s14+$0x850] =	vst v29;
	v29 =	vadd.f32 v52, v13;
	v32 =	vcvt.f32.s32 v58  }
0x112: {  	v25 =	vmul.f32 v26, v10;
	v53 =	vmul.f32 v26, v6;
	v49 =	vand.u32 $0x1FFF, v33;
	v30 =	vld.idx.msk [tilespmem:v30+s18+$0x0], $0xffff  }
0x113: {  	v33 =	vand.u32 $0x1FFF, v28;
	v29 =	vtrunc.f32 v29;
	v41 =	vand.u32 $0x1FFF, v32  }
0x114: {  	v35 =	vld.idx.msk [tilespmem:v39+s18+$0x0], $0xffff;
	v28 =	vmul.f32 v26, v4;
	[tilespmem:s16+$0x820] =	vst v56;
	v32 =	vcvt.f32.s32 v29;
	v29 =	vand.u32 $0x1FFF, v38  }
0x115: {  	v42 =	vcvt.f32.s32 v61;
	v37 =	vtrunc.f32 v57;
	v38 =	vld.idx.msk [tilespmem:v43+s18+$0x0], $0xffff;
	[tilespmem:s13+$0x860] =	vst v60  }
0x116: {  	v31 =	vcvt.f32.s32 v31;
	v34 =	vadd.f32 v53, v14;
	v44 =	vadd.f32 v28, v12;
	v28 =	vld.idx.msk [tilespmem:v48+s18+$0x0], $0xffff  }
0x117: {  	s30 =	simm.s32 $0x4;
	s29 =	simm.s32 $0x280;
	s12 =	smul.u32 $0x50, s11;
	v36 =	vand.u32 $0x1FFF, v62;
	v43 =	vadd.f32 v63, v15;
	v39 =	vld.idx.msk [tilespmem:v49+s18+$0x0], $0xffff;
	[tilespmem:s14+$0x860] =	vst v30;
	v30 =	vmul.f32 v26, v7  }
.LBB2_5:
0x118: {  	s31 =	sadd.s32 s30, s25;
	s30 =	sadd.s32 $0x2, s30;
	v41 =	vld.idx.msk [tilespmem:v41+s18+$0x0], $0xffff;
	v45 =	vmul.f32 v26, v8;
	v42 =	vand.u32 $0x1FFF, v42;
	v46 =	vand.u32 $0x1FFF, v27;
	s28 =	sadd.s32 $0x400, s28  }
0x119: {  	s6 =	sadd.s32 $0x2, s31;
	s31 =	sadd.s32 $0x3, s31;
	s5 =	sand.u32 $0x7000, s28;
	v27 =	vtrunc.f32 v44;
	v43 =	vtrunc.f32 v43;
	v40 =	vadd.f32 v40, v16;
	v29 =	vld.idx.msk [tilespmem:v29+s18+$0x0], $0xffff  }
0x11a: {  	p0 =	slt.u32 s30, $0x26;
	v44 =	vmov s6;
	v47 =	vmov s31;
	s5 =	sor.u32 $0x10E00, s5;
	v27 =	vcvt.f32.s32 v27;
	s6 =	sand.u32 $0x380, s29;
	[tilespmem:s15+$0x830] =	vst v35  }
0x11b: {  	s31 =	sadd.s32 $0xFFFFFF80, s29;
	v43 =	vcvt.f32.s32 v43;
	v35 =	vand.u32 $0xFFFFFFFE, v44;
	s6 =	sadd.s32 s6, s5;
	v40 =	vtrunc.f32 v40;
	[tilespmem:s16+$0x830] =	vst v38;
	v33 =	vld.idx.msk [tilespmem:v33+s18+$0x0], $0xffff  }
0x11c: {  	s31 =	sand.u32 $0x300, s31;
	v38 =	vadd.f32 v45, v16;
	v35 =	vbroadcast v35, $0x0;
	[tilespmem:s6+$0x800] =	vst v39;
	v39 =	vcvt.f32.s32 v40;
	v36 =	vld.idx.msk [tilespmem:v36+s18+$0x0], $0xffff  }
0x11d: {  	v26 =	vmul.f32 v26, v9;
	v44 =	vmul.f32 v21, v9;
	s5 =	sadd.s32 s31, s5;
	v40 =	vand.u32 $0x1FFF, v27;
	[tilespmem:s13+$0x870] =	vst v28;
	s13 =	smov.u32 s15;
	s15 =	smov.u32 s6  }
0x11e: {  	v27 =	vtrunc.f32 v38;
	v28 =	vmul.f32 v21, v10;
	v38 =	vand.u32 $0x1FFF, v19;
	[tilespmem:s5+$0x800] =	vst v41;
	v19 =	vmovc v39  }
0x11f: {  	v37 =	vcvt.f32.s32 v37;
	v27 =	vcvt.f32.s32 v27;
	v41 =	vadd.f32 v44, v17;
	v39 =	vld.idx.msk [tilespmem:v42+s18+$0x0], $0xffff;
	[tilespmem:s14+$0x870] =	vst v29;
	s14 =	smov.u32 s16;
	s16 =	smov.u32 s5  }
0x120: {  	v29 =	vadd.f32 v26, v17;
	v28 =	vadd.f32 v28, v18;
	v42 =	vand.u32 $0x1FFF, v24;
	v21 =	vld.idx.msk [tilespmem:v47+s21+$0x0], $0xffff  }
0x121: {  	v32 =	vand.u32 $0x1FFF, v32;
	v37 =	vand.u32 $0x1FFF, v37;
	v24 =	vtrunc.f32 v41;
	[tilespmem:s13+$0x840] =	vst v33  }
0x122: {  	v45 =	vand.u32 $0x1FFF, v22;
	v29 =	vtrunc.f32 v29;
	v24 =	vcvt.f32.s32 v24;
	v26 =	vld.idx.msk [tilespmem:v35+s21+$0x0], $0xffff;
	[tilespmem:s14+$0x840] =	vst v36  }
0x123: {  	v22 =	vtrunc.f32 v28;
	v28 =	vand.u32 $0x1FFF, v20;
	v20 =	vcvt.f32.s32 v29;
	v33 =	vld.idx.msk [tilespmem:v40+s18+$0x0], $0xffff  }
0x124: {  	v25 =	vadd.f32 v25, v18;
	v29 =	vtrunc.f32 v34;
	v22 =	vcvt.f32.s32 v22;
	v34 =	vld.idx.msk [tilespmem:v46+s18+$0x0], $0xffff  }
0x125: {  	v30 =	vadd.f32 v30, v15;
	v29 =	vcvt.f32.s32 v29;
	v40 =	vtrunc.f32 v23;
	v35 =	vld.idx.msk [tilespmem:v38+s18+$0x0], $0xffff  }
0x126: {  	v31 =	vand.u32 $0x1FFF, v31;
	v23 =	vmovc v25;
	v36 =	vmul.f32 v21, v3;
	v38 =	vcvt.f32.s32 v40;
	[tilespmem:s15+$0x810] =	vst v39  }
0x127: {  	v40 =	vmul.f32 v21, v5;
	v44 =	vand.u32 $0x1FFF, v29;
	v39 =	vmul.f32 v21, v4;
	v29 =	vld.idx.msk [tilespmem:v37+s18+$0x0], $0xffff  }
0x128: {  	v37 =	vmul.f32 v26, v3;
	v25 =	vmul.f32 v26, v10;
	v36 =	vadd.f32 v36, v11  }
0x129: {  	v41 =	vmul.f32 v26, v5;
	v46 =	vmul.f32 v26, v6;
	v39 =	vadd.f32 v39, v12;
	[tilespmem:s16+$0x810] =	vst v33  }
0x12a: {  	v33 =	vadd.f32 v37, v11;
	v36 =	vtrunc.f32 v36;
	v37 =	vmul.f32 v21, v6;
	v47 =	vld.idx.msk [tilespmem:v32+s18+$0x0], $0xffff;
	[tilespmem:s14+$0x850] =	vst v34  }
0x12b: {  	v32 =	vadd.f32 v41, v13;
	v34 =	vcvt.f32.s32 v36;
	v36 =	vadd.f32 v40, v13;
	v28 =	vld.idx.msk [tilespmem:v28+s18+$0x0], $0xffff;
	[tilespmem:s13+$0x850] =	vst v35  }
0x12c: {  	v30 =	vtrunc.f32 v30;
	v33 =	vtrunc.f32 v33;
	v40 =	vadd.f32 v37, v14;
	v48 =	vld.idx.msk [tilespmem:v42+s18+$0x0], $0xffff  }
0x12d: {  	v37 =	vcvt.f32.s32 v33;
	v32 =	vtrunc.f32 v32;
	v49 =	vand.u32 $0x1FFF, v34;
	[tilespmem:s15+$0x820] =	vst v29  }
0x12e: {  	v30 =	vcvt.f32.s32 v30;
	v33 =	vand.u32 $0x1FFF, v43;
	v29 =	vtrunc.f32 v39;
	v35 =	vld.idx.msk [tilespmem:v31+s18+$0x0], $0xffff  }
.Ltmp5:
0x12f: {  	v43 =	vmul.f32 v26, v4;
	v32 =	vcvt.f32.s32 v32;
	v41 =	vand.u32 $0x1FFF, v37;
	(pc) =	sbr.rel @p0 .LBB2_5-.Ltmp5, $4  }
0x130: {  	v42 =	vcvt.f32.s32 v29;
	v37 =	vtrunc.f32 v36;
	v29 =	vand.u32 $0x1FFF, v38;
	[tilespmem:s16+$0x820] =	vst v47  }
0x131: {  	v31 =	vtrunc.f32 v40;
	v40 =	vmul.f32 v21, v7;
	v36 =	vand.u32 $0x1FFF, v30;
	v38 =	vld.idx.msk [tilespmem:v44+s18+$0x0], $0xffff;
	[tilespmem:s14+$0x860] =	vst v28  }
0x132: {  	v34 =	vadd.f32 v46, v14;
	v30 =	vmul.f32 v26, v7;
	v31 =	vcvt.f32.s32 v31;
	v39 =	vld.idx.msk [tilespmem:v49+s18+$0x0], $0xffff;
	[tilespmem:s13+$0x860] =	vst v48  }
0x133: {  	s29 =	sadd.s32 $0x100, s29;
	v44 =	vadd.f32 v43, v12;
	v43 =	vadd.f32 v40, v15;
	v40 =	vmul.f32 v21, v8;
	v28 =	vld.idx.msk [tilespmem:v45+s18+$0x0], $0xffff  }
0x134: {  	_ =	sdelay $0x1  }
0x135: {  	v44 =	vtrunc.f32 v44  }
0x136: {  	v44 =	vcvt.f32.s32 v44  }
0x137: {  	v41 =	vld.idx.msk [tilespmem:v41+s18+$0x0], $0xffff;
	v42 =	vand.u32 $0x1FFF, v42;
	s5 =	sadd.s32 $0x400, s28  }
0x138: {  	s5 =	sand.u32 $0x7000, s5;
	v44 =	vand.u32 $0x1FFF, v44  }
0x139: {  	s6 =	sand.u32 $0x380, s29;
	s29 =	sadd.s32 $0xFFFFFF80, s29;
	s5 =	sor.u32 $0x10E00, s5  }
0x13a: {  	s1 =	sand.u32 $0x300, s29;
	s28 =	sadd.s32 s6, s5  }
0x13b: {  	v37 =	vcvt.f32.s32 v37;
	s29 =	sadd.s32 s1, s5;
	[tilespmem:s28+$0x800] =	vst v39  }
0x13c: {  	[tilespmem:s29+$0x800] =	vst v41;
	v39 =	vld.idx.msk [tilespmem:v42+s18+$0x0], $0xffff  }
0x13d: {  	v37 =	vand.u32 $0x1FFF, v37;
	v41 =	vld.idx.msk [tilespmem:v44+s18+$0x0], $0xffff  }
0x13e: {  	v32 =	vand.u32 $0x1FFF, v32;
	_ =	sdelay $0x2  }
0x13f: {  	v34 =	vtrunc.f32 v34;
	[tilespmem:s28+$0x810] =	vst v39  }
0x140: {  	v34 =	vcvt.f32.s32 v34;
	v37 =	vld.idx.msk [tilespmem:v37+s18+$0x0], $0xffff;
	[tilespmem:s29+$0x810] =	vst v41  }
0x141: {  	v31 =	vand.u32 $0x1FFF, v31;
	v32 =	vld.idx.msk [tilespmem:v32+s18+$0x0], $0xffff  }
0x142: {  	v34 =	vand.u32 $0x1FFF, v34  }
0x143: {  	v30 =	vadd.f32 v30, v15  }
0x144: {  	v50 =	vtrunc.f32 v43  }
0x145: {  	v30 =	vtrunc.f32 v30;
	v39 =	vcvt.f32.s32 v50;
	[tilespmem:s28+$0x820] =	vst v37  }
0x146: {  	v30 =	vcvt.f32.s32 v30;
	v31 =	vld.idx.msk [tilespmem:v31+s18+$0x0], $0xffff;
	[tilespmem:s29+$0x820] =	vst v32  }
0x147: {  	v51 =	vmul.f32 v26, v8;
	v52 =	vand.u32 $0x1FFF, v39;
	v34 =	vld.idx.msk [tilespmem:v34+s18+$0x0], $0xffff  }
0x148: {  	v53 =	vadd.f32 v40, v16;
	v30 =	vand.u32 $0x1FFF, v30  }
0x149: {  	[tilespmem:s15+$0x830] =	vst v35;
	v32 =	vadd.f32 v51, v16  }
0x14a: {  	v33 =	vld.idx.msk [tilespmem:v33+s18+$0x0], $0xffff;
	[tilespmem:s16+$0x830] =	vst v38;
	v54 =	vtrunc.f32 v53  }
0x14b: {  	v19 =	vand.u32 $0x1FFF, v19;
	v36 =	vld.idx.msk [tilespmem:v36+s18+$0x0], $0xffff;
	v35 =	vcvt.f32.s32 v54;
	v32 =	vtrunc.f32 v32;
	[tilespmem:s28+$0x830] =	vst v31  }
0x14c: {  	v27 =	vand.u32 $0x1FFF, v27;
	v31 =	vmul.f32 v21, v9;
	v32 =	vcvt.f32.s32 v32;
	v55 =	vld.idx.msk [tilespmem:v52+s18+$0x0], $0xffff;
	[tilespmem:s29+$0x830] =	vst v34  }
0x14d: {  	v26 =	vmul.f32 v26, v9;
	v35 =	vand.u32 $0x1FFF, v35;
	v30 =	vld.idx.msk [tilespmem:v30+s18+$0x0], $0xffff  }
0x14e: {  	v31 =	vadd.f32 v31, v17;
	v32 =	vand.u32 $0x1FFF, v32  }
0x14f: {  	v26 =	vadd.f32 v26, v17;
	[tilespmem:s15+$0x840] =	vst v33  }
0x150: {  	v19 =	vld.idx.msk [tilespmem:v19+s18+$0x0], $0xffff;
	[tilespmem:s16+$0x840] =	vst v36;
	v31 =	vtrunc.f32 v31  }
0x151: {  	v24 =	vand.u32 $0x1FFF, v24;
	v26 =	vtrunc.f32 v26;
	v27 =	vld.idx.msk [tilespmem:v27+s18+$0x0], $0xffff;
	v31 =	vcvt.f32.s32 v31;
	[tilespmem:s28+$0x840] =	vst v55  }
0x152: {  	v20 =	vand.u32 $0x1FFF, v20;
	v26 =	vcvt.f32.s32 v26;
	v21 =	vmul.f32 v21, v10;
	[tilespmem:s29+$0x840] =	vst v30;
	v30 =	vld.idx.msk [tilespmem:v35+s18+$0x0], $0xffff  }
0x153: {  	v31 =	vand.u32 $0x1FFF, v31;
	v32 =	vld.idx.msk [tilespmem:v32+s18+$0x0], $0xffff  }
0x154: {  	v26 =	vand.u32 $0x1FFF, v26;
	v21 =	vadd.f32 v21, v18  }
0x155: {  	v25 =	vadd.f32 v25, v18;
	v23 =	vtrunc.f32 v23;
	[tilespmem:s15+$0x850] =	vst v19  }
0x156: {  	[tilespmem:s16+$0x850] =	vst v27;
	v19 =	vtrunc.f32 v21;
	v21 =	vcvt.f32.s32 v23;
	v23 =	vld.idx.msk [tilespmem:v24+s18+$0x0], $0xffff  }
0x157: {  	v22 =	vand.u32 $0x1FFF, v22;
	v20 =	vld.idx.msk [tilespmem:v20+s18+$0x0], $0xffff;
	v24 =	vtrunc.f32 v25;
	v19 =	vcvt.f32.s32 v19;
	[tilespmem:s28+$0x850] =	vst v30  }
0x158: {  	v24 =	vcvt.f32.s32 v24;
	v21 =	vand.u32 $0x1FFF, v21;
	[tilespmem:s29+$0x850] =	vst v32;
	v25 =	vld.idx.msk [tilespmem:v31+s18+$0x0], $0xffff  }
0x159: {  	v19 =	vand.u32 $0x1FFF, v19;
	v26 =	vld.idx.msk [tilespmem:v26+s18+$0x0], $0xffff  }
0x15a: {  	v24 =	vand.u32 $0x1FFF, v24  }
0x15b: {  	v27 =	vld.idx.msk [tilespmem:v29+s18+$0x0], $0xffff;
	[tilespmem:s15+$0x860] =	vst v23  }
0x15c: {  	[tilespmem:s16+$0x860] =	vst v20;
	v20 =	vld.idx.msk [tilespmem:v22+s18+$0x0], $0xffff  }
0x15d: {  	v21 =	vld.idx.msk [tilespmem:v21+s18+$0x0], $0xffff;
	[tilespmem:s28+$0x860] =	vst v25  }
0x15e: {  	[tilespmem:s29+$0x860] =	vst v26;
	v19 =	vld.idx.msk [tilespmem:v19+s18+$0x0], $0xffff  }
0x15f: {  	[tilespmem:s13+$0x870] =	vst v28;
	v22 =	vld.idx.msk [tilespmem:v24+s18+$0x0], $0xffff  }
0x160: {  	[tilespmem:s14+$0x870] =	vst v27  }
0x161: {  	[tilespmem:s15+$0x870] =	vst v20  }
0x162: {  	[tilespmem:s16+$0x870] =	vst v21  }
0x163: {  	p0 =	seq.s32 s11, $0x0;
	[tilespmem:s28+$0x870] =	vst v19  }
0x164: {  	s5 =	simm.s32 @!p0 $0x8;
	[tilespmem:s29+$0x870] =	vst v22  }
0x165: {  	_ =	swait.ge @!p0 [sflag:s5], $0x5000  }
0x166: {  	[sflag:s5] =	ssyncset.done @!p0 $0x0  }
0x167: {  	s13 =	sadd.s32 $0x28, s12;
	[sflag:s5] =	ssyncadd.s32 @!p0 $0xFFFFB000  }
0x168: {  	v19 =	vld [tilespmem:s13+$0x7000];
	_ =	sdelay $0x4  }
0x169: {  	v20 =	vperm.xlane v19, v0;
	_ =	sdelay $0x1  }
0x16a: {  	v19 =	vperm.xlane v19, v2;
	v20 =	vadd.s32 v1, v20;
	_ =	sdelay $0x1  }
0x16b: {  	v19 =	vadd.s32 v1, v19;
	_ =	sdelay $0x1  }
0x16c: {  	s14 =	simm.s32 $0x0  }
0x16d: {  	[tilespmem:s24], [sflag:$0x5] =	stream.indirect_vreg.gather [hbm4b:s0+s14], $0x80, v20, vm0, $0xb8;
	[tilespmem:$0x1AE00] =	vst v63  }
0x16e: {  	s1 =	simm.s32 $0x16E00  }
0x16f: {  	[tilespmem:s1], [sflag:$0x5] =	stream.indirect_vreg.gather [hbm4b:s0+s14], $0x80, v19, vm0, $0xb8;
	[tilespmem:$0x1AE00] =	vst v63  }
0x170: {  	v19 =	vld [tilespmem:s13+$0x7010];
	_ =	sdelay $0x4  }
0x171: {  	v20 =	vperm.xlane v19, v0;
	_ =	sdelay $0x1  }
0x172: {  	v19 =	vperm.xlane v19, v2;
	v20 =	vadd.s32 v1, v20;
	_ =	sdelay $0x1  }
0x173: {  	v19 =	vadd.s32 v1, v19;
	_ =	sdelay $0x1  }
0x174: {  	s15 =	simm.s32 $0x17E00  }
0x175: {  	[tilespmem:s15], [sflag:$0x5] =	stream.indirect_vreg.gather [hbm4b:s0+s14], $0x80, v20, vm0, $0xb8;
	[tilespmem:$0x1AE00] =	vst v63  }
0x176: {  	s16 =	simm.s32 $0x18E00  }
0x177: {  	[tilespmem:s16], [sflag:$0x5] =	stream.indirect_vreg.gather [hbm4b:s0+s14], $0x80, v19, vm0, $0xb8;
	[tilespmem:$0x1AE00] =	vst v63  }
0x178: {  	v19 =	vld.msk [tilespmem:s13+$0x7020], $0xff;
	_ =	sdelay $0x4  }
0x179: {  	v19 =	vperm.xlane v19, v0;
	_ =	sdelay $0x1  }
0x17a: {  	v19 =	vadd.s32 v1, v19;
	_ =	sdelay $0x3  }
0x17b: {  	s5 =	simm.s32 $0x19E00  }
0x17c: {  	[tilespmem:s5], [sflag:$0x5] =	stream.indirect_vreg.gather [hbm4b:s0+s14], $0x80, v19, vm0, $0xb8;
	[tilespmem:$0x1AE00] =	vst v63  }
0x17d: {  	v19 =	vld [tilespmem:s13+$0x9780];
	_ =	sdelay $0x4  }
0x17e: {  	v20 =	vperm.xlane v19, v0;
	_ =	sdelay $0x1  }
0x17f: {  	v19 =	vperm.xlane v19, v2;
	v20 =	vadd.s32 v1, v20;
	_ =	sdelay $0x1  }
0x180: {  	v19 =	vadd.s32 v1, v19;
	_ =	sdelay $0x1  }
0x181: {  	s6 =	simm.s32 $0x16200  }
0x182: {  	[tilespmem:s6], [sflag:$0x6] =	stream.indirect_vreg.gather [hbm4b:s0+s14], $0x80, v20, vm0, $0xb8;
	[tilespmem:$0x1AE00] =	vst v63  }
0x183: {  	s15 =	simm.s32 $0x17200  }
0x184: {  	[tilespmem:s15], [sflag:$0x6] =	stream.indirect_vreg.gather [hbm4b:s0+s14], $0x80, v19, vm0, $0xb8;
	[tilespmem:$0x1AE00] =	vst v63  }
0x185: {  	v19 =	vld [tilespmem:s13+$0x9790];
	_ =	sdelay $0x4  }
0x186: {  	v20 =	vperm.xlane v19, v0;
	_ =	sdelay $0x1  }
0x187: {  	v19 =	vperm.xlane v19, v2;
	v20 =	vadd.s32 v1, v20;
	_ =	sdelay $0x1  }
0x188: {  	v19 =	vadd.s32 v1, v19;
	_ =	sdelay $0x1  }
0x189: {  	s16 =	simm.s32 $0x18200  }
0x18a: {  	[tilespmem:s16], [sflag:$0x6] =	stream.indirect_vreg.gather [hbm4b:s0+s14], $0x80, v20, vm0, $0xb8;
	[tilespmem:$0x1AE00] =	vst v63  }
0x18b: {  	s5 =	simm.s32 $0x19200  }
0x18c: {  	[tilespmem:s5], [sflag:$0x6] =	stream.indirect_vreg.gather [hbm4b:s0+s14], $0x80, v19, vm0, $0xb8;
	[tilespmem:$0x1AE00] =	vst v63  }
0x18d: {  	v19 =	vld.msk [tilespmem:s13+$0x97A0], $0xff;
	_ =	sdelay $0x4  }
0x18e: {  	v19 =	vperm.xlane v19, v0;
	_ =	sdelay $0x1  }
0x18f: {  	v19 =	vadd.s32 v1, v19;
	_ =	sdelay $0x3  }
0x190: {  	s6 =	simm.s32 $0x1A200  }
0x191: {  	[tilespmem:s6], [sflag:$0x6] =	stream.indirect_vreg.gather [hbm4b:s0+s14], $0x80, v19, vm0, $0xb8;
	[tilespmem:$0x1AE00] =	vst v63  }
0x192: {  	v19 =	vld [tilespmem:s13+$0xBF00];
	_ =	sdelay $0x4  }
0x193: {  	v20 =	vperm.xlane v19, v0;
	_ =	sdelay $0x1  }
0x194: {  	v19 =	vperm.xlane v19, v2;
	v20 =	vadd.s32 v1, v20;
	_ =	sdelay $0x1  }
0x195: {  	v19 =	vadd.s32 v1, v19;
	_ =	sdelay $0x1  }
0x196: {  	s15 =	simm.s32 $0x16A00  }
0x197: {  	[tilespmem:s15], [sflag:$0x7] =	stream.indirect_vreg.gather [hbm4b:s2+s14], $0x80, v20, vm0, $0xb8;
	[tilespmem:$0x1AE00] =	vst v63  }
0x198: {  	s16 =	simm.s32 $0x17A00  }
0x199: {  	[tilespmem:s16], [sflag:$0x7] =	stream.indirect_vreg.gather [hbm4b:s2+s14], $0x80, v19, vm0, $0xb8;
	[tilespmem:$0x1AE00] =	vst v63  }
0x19a: {  	v19 =	vld [tilespmem:s13+$0xBF10];
	_ =	sdelay $0x4  }
0x19b: {  	v20 =	vperm.xlane v19, v0;
	_ =	sdelay $0x1  }
0x19c: {  	v19 =	vperm.xlane v19, v2;
	v20 =	vadd.s32 v1, v20;
	_ =	sdelay $0x1  }
0x19d: {  	v19 =	vadd.s32 v1, v19;
	_ =	sdelay $0x1  }
0x19e: {  	s5 =	simm.s32 $0x18A00  }
0x19f: {  	[tilespmem:s5], [sflag:$0x7] =	stream.indirect_vreg.gather [hbm4b:s2+s14], $0x80, v20, vm0, $0xb8;
	[tilespmem:$0x1AE00] =	vst v63  }
0x1a0: {  	s6 =	simm.s32 $0x19A00  }
0x1a1: {  	[tilespmem:s6], [sflag:$0x7] =	stream.indirect_vreg.gather [hbm4b:s2+s14], $0x80, v19, vm0, $0xb8;
	[tilespmem:$0x1AE00] =	vst v63  }
0x1a2: {  	v19 =	vld.msk [tilespmem:s13+$0xBF20], $0xff;
	_ =	sdelay $0x4  }
0x1a3: {  	v19 =	vperm.xlane v19, v0;
	_ =	sdelay $0x1  }
0x1a4: {  	v19 =	vadd.s32 v1, v19;
	_ =	sdelay $0x3  }
0x1a5: {  	s15 =	simm.s32 $0x1AA00  }
0x1a6: {  	[tilespmem:s15], [sflag:$0x7] =	stream.indirect_vreg.gather [hbm4b:s2+s14], $0x80, v19, vm0, $0xb8;
	[tilespmem:$0x1AE00] =	vst v63  }
0x1a7: {  	_ =	swait.ge [sflag:s3], $0x1400  }
0x1a8: {  	s16 =	sadd.s32 $0xFFFFFFFE, s25;
	[sflag:s3] =	ssyncset.done $0x0  }
0x1a9: {  	s1 =	sadd.s32 $0x2A, s16;
	[sflag:s3] =	ssyncadd.s32 $0xFFFFEC00  }
0x1aa: {  	v19 =	vmov s1;
	_ =	swait.ge [sflag:s4], $0x1400  }
0x1ab: {  	s5 =	sadd.s32 $0x2B, s16;
	v19 =	vand.u32 $0xFFFFFFFE, v19;
	[sflag:s4] =	ssyncset.done $0x0  }
0x1ac: {  	v20 =	vmov s5;
	v19 =	vbroadcast v19, $0x0;
	[sflag:s4] =	ssyncadd.s32 $0xFFFFEC00  }
0x1ad: {  	s6 =	sadd.s32 s10, s12;
	_ =	swait.ge [sflag:s7], $0x1400  }
0x1ae: {  	s5 =	sshll.u32 s6, $0x6;
	s15 =	sadd.s32 $0x0, s25;
	[sflag:s7] =	ssyncset.done $0x0  }
0x1af: {  	s5 =	sadd.s32 s8, s5;
	s16 =	sadd.s32 $0x2A, s15;
	[sflag:s7] =	ssyncadd.s32 $0xFFFFEC00  }
0x1b0: {  	[hbm4b:s5+s14] =	stream.linear.scatter [tilespmem:s26], [sflag:$0x4], $0x5000, $0x38;
	[tilespmem:$0x1AE00] =	vst v63  }
0x1b1: {  	v58 =	vmov s16;
	v20 =	vld.idx.msk [tilespmem:v20+s21+$0x0], $0xffff  }
0x1b2: {  	v34 =	vand.u32 $0xFFFFFFFE, v58;
	v19 =	vld.idx.msk [tilespmem:v19+s21+$0x0], $0xffff  }
0x1b3: {  	v34 =	vbroadcast v34, $0x0;
	_ =	sdelay $0x2  }
0x1b4: {  	v21 =	vmul.f32 v20, v3;
	v22 =	vmul.f32 v20, v4  }
0x1b5: {  	v23 =	vmul.f32 v19, v3;
	v24 =	vmul.f32 v20, v5  }
0x1b6: {  	v25 =	vmul.f32 v19, v5;
	v26 =	vmul.f32 v19, v10  }
0x1b7: {  	v34 =	vld.idx.msk [tilespmem:v34+s21+$0x0], $0xffff;
	v27 =	vmul.f32 v19, v6;
	v28 =	vmul.f32 v20, v6  }
0x1b8: {  	v29 =	vmul.f32 v19, v4;
	v30 =	vmul.f32 v20, v7  }
0x1b9: {  	v31 =	vmul.f32 v19, v7;
	v56 =	vmul.f32 v20, v8  }
0x1ba: {  	s5 =	sadd.s32 $0x2B, s15;
	v57 =	vmul.f32 v19, v8;
	v60 =	vmul.f32 v20, v9  }
0x1bb: {  	v59 =	vmov s5;
	v19 =	vmul.f32 v19, v9;
	v20 =	vmul.f32 v20, v10  }
0x1bc: {  	v63 =	vmul.f32 v34, v10;
	v21 =	vadd.f32 v21, v11;
	v23 =	vadd.f32 v23, v11  }
0x1bd: {  	v48 =	vmul.f32 v34, v6;
	v25 =	vadd.f32 v25, v13;
	v22 =	vadd.f32 v22, v12  }
0x1be: {  	v52 =	vmul.f32 v34, v7;
	v24 =	vadd.f32 v24, v13;
	v28 =	vadd.f32 v28, v14  }
0x1bf: {  	v29 =	vadd.f32 v29, v12;
	v30 =	vadd.f32 v30, v15;
	v21 =	vtrunc.f32 v21  }
0x1c0: {  	v32 =	vadd.f32 v56, v16;
	v23 =	vtrunc.f32 v23;
	v25 =	vtrunc.f32 v25  }
0x1c1: {  	v33 =	vadd.f32 v57, v16;
	v22 =	vtrunc.f32 v22;
	v24 =	vtrunc.f32 v24  }
0x1c2: {  	v36 =	vadd.f32 v60, v17;
	v28 =	vtrunc.f32 v28;
	v29 =	vtrunc.f32 v29  }
0x1c3: {  	v19 =	vadd.f32 v19, v17;
	v30 =	vtrunc.f32 v30;
	v32 =	vtrunc.f32 v32  }
0x1c4: {  	v41 =	vadd.f32 v48, v14;
	v33 =	vtrunc.f32 v33;
	v21 =	vcvt.f32.s32 v21  }
0x1c5: {  	v38 =	vadd.f32 v26, v18;
	v36 =	vtrunc.f32 v36;
	v23 =	vcvt.f32.s32 v23  }
0x1c6: {  	v19 =	vtrunc.f32 v19;
	v60 =	vtrunc.f32 v41;
	v21 =	vand.u32 $0x1FFF, v21  }
0x1c7: {  	v38 =	vtrunc.f32 v38;
	v25 =	vcvt.f32.s32 v25;
	v23 =	vand.u32 $0x1FFF, v23  }
0x1c8: {  	v35 =	vld.idx.msk [tilespmem:v59+s21+$0x0], $0xffff;
	v22 =	vcvt.f32.s32 v22;
	v28 =	vcvt.f32.s32 v28  }
0x1c9: {  	v29 =	vcvt.f32.s32 v29;
	v30 =	vcvt.f32.s32 v30  }
0x1ca: {  	v20 =	vadd.f32 v20, v18;
	v32 =	vcvt.f32.s32 v32;
	v33 =	vcvt.f32.s32 v33  }
0x1cb: {  	v27 =	vadd.f32 v27, v14;
	v24 =	vcvt.f32.s32 v24;
	v36 =	vcvt.f32.s32 v36;
	v21 =	vld.idx.msk [tilespmem:v21+s18+$0x0], $0xffff  }
0x1cc: {  	v61 =	vcvt.f32.s32 v19;
	v19 =	vtrunc.f32 v20;
	v22 =	vand.u32 $0x1FFF, v22;
	v23 =	vld.idx.msk [tilespmem:v23+s18+$0x0], $0xffff  }
0x1cd: {  	s1 =	simm.s32 $0x80;
	s16 =	simm.s32 $0x0;
	s15 =	sand.u32 $0x7000, s14;
	v20 =	vtrunc.f32 v27;
	v27 =	vmul.f32 v35, v3;
	v29 =	vand.u32 $0x1FFF, v29  }
0x1ce: {  	s6 =	sadd.s32 $0x15E00, s15;
	s5 =	sand.u32 $0x380, s1;
	s1 =	sand.u32 $0x300, s16;
	v62 =	vmul.f32 v35, v5;
	v49 =	vmul.f32 v35, v6  }
0x1cf: {  	s14 =	sadd.s32 s5, s6;
	s15 =	sadd.s32 s1, s6;
	s6 =	sadd.s32 $0x2, s25;
	v51 =	vmul.f32 v35, v7;
	v53 =	vmul.f32 v35, v8  }
0x1d0: {  	s5 =	sadd.s32 $0x2B, s6;
	v56 =	vmul.f32 v35, v9;
	v38 =	vcvt.f32.s32 v38;
	[tilespmem:s14+$0x800] =	vst v21  }
0x1d1: {  	v55 =	vmov s5;
	v26 =	vcvt.f32.s32 v19;
	v19 =	vcvt.f32.s32 v20;
	[tilespmem:s15+$0x800] =	vst v23;
	v22 =	vld.idx.msk [tilespmem:v22+s18+$0x0], $0xffff  }
0x1d2: {  	v20 =	vadd.f32 v31, v15;
	v24 =	vand.u32 $0x1FFF, v24;
	v27 =	vadd.f32 v27, v11;
	v29 =	vld.idx.msk [tilespmem:v29+s18+$0x0], $0xffff  }
0x1d3: {  	v31 =	vmul.f32 v35, v4;
	v25 =	vand.u32 $0x1FFF, v25;
	v28 =	vand.u32 $0x1FFF, v28  }
0x1d4: {  	v39 =	vadd.f32 v62, v13;
	v27 =	vtrunc.f32 v27;
	v21 =	vmul.f32 v34, v3  }
0x1d5: {  	v42 =	vadd.f32 v49, v14;
	v33 =	vand.u32 $0x1FFF, v33;
	v27 =	vcvt.f32.s32 v27  }
0x1d6: {  	v32 =	vand.u32 $0x1FFF, v32;
	v19 =	vand.u32 $0x1FFF, v19;
	v21 =	vadd.f32 v21, v11;
	[tilespmem:s14+$0x810] =	vst v22  }
0x1d7: {  	v20 =	vtrunc.f32 v20;
	v23 =	vmul.f32 v34, v5;
	v22 =	vand.u32 $0x1FFF, v27;
	[tilespmem:s15+$0x810] =	vst v29;
	v24 =	vld.idx.msk [tilespmem:v24+s18+$0x0], $0xffff  }
0x1d8: {  	v31 =	vadd.f32 v31, v12;
	v20 =	vcvt.f32.s32 v20;
	v21 =	vtrunc.f32 v21;
	v25 =	vld.idx.msk [tilespmem:v25+s18+$0x0], $0xffff  }
0x1d9: {  	v50 =	vtrunc.f32 v42;
	v23 =	vadd.f32 v23, v13;
	v21 =	vcvt.f32.s32 v21  }
0x1da: {  	v27 =	vtrunc.f32 v31;
	v29 =	vand.u32 $0x1FFF, v30;
	v30 =	vmul.f32 v34, v4  }
0x1db: {  	v36 =	vand.u32 $0x1FFF, v36;
	v23 =	vtrunc.f32 v23;
	v27 =	vcvt.f32.s32 v27  }
0x1dc: {  	v23 =	vcvt.f32.s32 v23;
	v21 =	vand.u32 $0x1FFF, v21;
	v30 =	vadd.f32 v30, v12;
	v22 =	vld.idx.msk [tilespmem:v22+s18+$0x0], $0xffff;
	[tilespmem:s14+$0x820] =	vst v24  }
0x1dd: {  	s29 =	simm.s32 $0x400;
	s16 =	sadd.s32 $0x2A, s6;
	v31 =	vtrunc.f32 v39;
	v45 =	vand.u32 $0x1FFF, v27;
	v24 =	vmul.f32 v34, v8;
	[tilespmem:s15+$0x820] =	vst v25;
	v27 =	vld.idx.msk [tilespmem:v28+s18+$0x0], $0xffff  }
0x1de: {  	s1 =	simm.s32 $0x180;
	v25 =	vtrunc.f32 v30;
	v30 =	vadd.f32 v53, v16;
	v54 =	vld.idx.msk [tilespmem:v19+s18+$0x0], $0xffff;
	v19 =	vmov s16;
	s16 =	sand.u32 $0x7000, s29  }
0x1df: {  	s5 =	sand.u32 $0x380, s1;
	v20 =	vand.u32 $0x1FFF, v20;
	v39 =	vcvt.f32.s32 v50;
	v25 =	vcvt.f32.s32 v25;
	s6 =	sadd.s32 $0x15E00, s16  }
0x1e0: {  	v19 =	vand.u32 $0xFFFFFFFE, v19;
	v30 =	vtrunc.f32 v30;
	v24 =	vadd.f32 v24, v16;
	s16 =	sadd.s32 s5, s6  }
0x1e1: {  	v42 =	vadd.f32 v51, v15;
	v47 =	vld.idx.msk [tilespmem:v21+s18+$0x0], $0xffff;
	v46 =	vbroadcast v19, $0x0;
	v19 =	vcvt.f32.s32 v30;
	[tilespmem:s16+$0x800] =	vst v22  }
0x1e2: {  	v25 =	vand.u32 $0x1FFF, v25;
	v30 =	vmul.f32 v34, v9;
	v21 =	vtrunc.f32 v24;
	v59 =	vld.idx.msk [tilespmem:v45+s18+$0x0], $0xffff  }
0x1e3: {  	v34 =	vadd.f32 v56, v17;
	v24 =	vmul.f32 v35, v10;
	[tilespmem:s14+$0x830] =	vst v27;
	v27 =	vcvt.f32.s32 v21;
	v21 =	vld.idx.msk [tilespmem:v55+s21+$0x0], $0xffff  }
0x1e4: {  	s28 =	simm.s32 $0x100;
	v31 =	vcvt.f32.s32 v31;
	v58 =	vand.u32 $0x1FFF, v23;
	v28 =	vtrunc.f32 v42;
	[tilespmem:s15+$0x830] =	vst v54;
	v29 =	vld.idx.msk [tilespmem:v29+s18+$0x0], $0xffff  }
0x1e5: {  	s1 =	sand.u32 $0x300, s28;
	v23 =	vtrunc.f32 v34;
	v57 =	vld.idx.msk [tilespmem:v20+s18+$0x0], $0xffff;
	v20 =	vadd.f32 v30, v17;
	v30 =	vadd.f32 v24, v18  }
0x1e6: {  	v62 =	vadd.f32 v52, v15;
	v28 =	vcvt.f32.s32 v28;
	s28 =	sadd.s32 s1, s6;
	v24 =	vcvt.f32.s32 v23  }
0x1e7: {  	v48 =	vand.u32 $0x1FFF, v26;
	[tilespmem:s28+$0x800] =	vst v47;
	v20 =	vtrunc.f32 v20;
	v26 =	vld.idx.msk [tilespmem:v46+s21+$0x0], $0xffff;
	v22 =	vtrunc.f32 v30  }
0x1e8: {  	v30 =	vand.u32 $0x1FFF, v61;
	v61 =	vld.idx.msk [tilespmem:v25+s18+$0x0], $0xffff;
	v25 =	vcvt.f32.s32 v60;
	v20 =	vcvt.f32.s32 v20  }
0x1e9: {  	v31 =	vand.u32 $0x1FFF, v31;
	v22 =	vcvt.f32.s32 v22;
	[tilespmem:s16+$0x810] =	vst v59;
	v59 =	vtrunc.f32 v62  }
0x1ea: {  	v23 =	vadd.f32 v63, v18;
	v63 =	vmul.f32 v21, v3;
	v49 =	vmul.f32 v21, v4;
	[tilespmem:s14+$0x840] =	vst v29  }
0x1eb: {  	v50 =	vmul.f32 v21, v5;
	v43 =	vand.u32 $0x1FFF, v25;
	v55 =	vmul.f32 v21, v6;
	[tilespmem:s15+$0x840] =	vst v57;
	v32 =	vld.idx.msk [tilespmem:v32+s18+$0x0], $0xffff  }
0x1ec: {  	v62 =	vcvt.f32.s32 v59;
	v29 =	vld.idx.msk [tilespmem:v33+s18+$0x0], $0xffff;
	v33 =	vadd.f32 v63, v11;
	v51 =	vmul.f32 v26, v3  }
0x1ed: {  	v40 =	vadd.f32 v49, v12;
	v63 =	vmul.f32 v21, v7;
	v25 =	vmul.f32 v26, v10  }
0x1ee: {  	v31 =	vld.idx.msk [tilespmem:v31+s18+$0x0], $0xffff;
	v52 =	vmul.f32 v26, v5;
	[tilespmem:s28+$0x810] =	vst v61;
	v33 =	vtrunc.f32 v33;
	v54 =	vadd.f32 v51, v11  }
0x1ef: {  	v39 =	vand.u32 $0x1FFF, v39;
	v53 =	vmul.f32 v26, v6;
	v56 =	vld.idx.msk [tilespmem:v58+s18+$0x0], $0xffff;
	v33 =	vcvt.f32.s32 v33  }
0x1f0: {  	v57 =	vadd.f32 v50, v13;
	v61 =	vtrunc.f32 v40;
	[tilespmem:s14+$0x850] =	vst v32;
	v58 =	vtrunc.f32 v54  }
0x1f1: {  	[tilespmem:s15+$0x850] =	vst v29;
	v29 =	vadd.f32 v52, v13;
	v49 =	vand.u32 $0x1FFF, v33;
	v60 =	vld.idx.msk [tilespmem:v36+s18+$0x0], $0xffff;
	v32 =	vcvt.f32.s32 v58  }
0x1f2: {  	v44 =	vadd.f32 v55, v14;
	v37 =	vtrunc.f32 v57;
	v40 =	vmul.f32 v21, v8;
	v30 =	vld.idx.msk [tilespmem:v30+s18+$0x0], $0xffff  }
0x1f3: {  	[tilespmem:s16+$0x820] =	vst v31;
	v33 =	vand.u32 $0x1FFF, v28;
	v29 =	vtrunc.f32 v29;
	v41 =	vand.u32 $0x1FFF, v32  }
0x1f4: {  	v35 =	vld.idx.msk [tilespmem:v39+s18+$0x0], $0xffff;
	v28 =	vmul.f32 v26, v4;
	[tilespmem:s28+$0x820] =	vst v56;
	v32 =	vcvt.f32.s32 v29;
	v29 =	vand.u32 $0x1FFF, v38  }
0x1f5: {  	v42 =	vcvt.f32.s32 v61;
	v31 =	vtrunc.f32 v44;
	v38 =	vld.idx.msk [tilespmem:v43+s18+$0x0], $0xffff  }
0x1f6: {  	v34 =	vadd.f32 v53, v14;
	v31 =	vcvt.f32.s32 v31;
	v44 =	vadd.f32 v28, v12;
	v39 =	vld.idx.msk [tilespmem:v49+s18+$0x0], $0xffff;
	[tilespmem:s14+$0x860] =	vst v60  }
0x1f7: {  	s31 =	simm.s32 $0x4;
	s30 =	simm.s32 $0x280;
	v36 =	vand.u32 $0x1FFF, v62;
	v43 =	vadd.f32 v63, v15;
	[tilespmem:s15+$0x860] =	vst v30;
	v30 =	vmul.f32 v26, v7;
	v28 =	vld.idx.msk [tilespmem:v48+s18+$0x0], $0xffff  }
.LBB2_7:
0x1f8: {  	s5 =	sadd.s32 s31, s25;
	s31 =	sadd.s32 $0x2, s31;
	v41 =	vld.idx.msk [tilespmem:v41+s18+$0x0], $0xffff;
	v45 =	vmul.f32 v26, v8;
	v42 =	vand.u32 $0x1FFF, v42;
	v46 =	vand.u32 $0x1FFF, v27;
	s29 =	sadd.s32 $0x400, s29  }
0x1f9: {  	s6 =	sadd.s32 $0x2A, s5;
	s5 =	sadd.s32 $0x2B, s5;
	s1 =	sand.u32 $0x7000, s29;
	v27 =	vtrunc.f32 v44;
	v43 =	vtrunc.f32 v43;
	v40 =	vadd.f32 v40, v16;
	v29 =	vld.idx.msk [tilespmem:v29+s18+$0x0], $0xffff  }
0x1fa: {  	p0 =	slt.u32 s31, $0x26;
	v44 =	vmov s6;
	v47 =	vmov s5;
	s1 =	sadd.s32 $0x15E00, s1;
	v27 =	vcvt.f32.s32 v27;
	s5 =	sand.u32 $0x380, s30;
	[tilespmem:s16+$0x830] =	vst v35  }
0x1fb: {  	s6 =	sadd.s32 $0xFFFFFF80, s30;
	v43 =	vcvt.f32.s32 v43;
	v35 =	vand.u32 $0xFFFFFFFE, v44;
	s5 =	sadd.s32 s5, s1;
	v40 =	vtrunc.f32 v40;
	[tilespmem:s28+$0x830] =	vst v38;
	v33 =	vld.idx.msk [tilespmem:v33+s18+$0x0], $0xffff  }
0x1fc: {  	s6 =	sand.u32 $0x300, s6;
	v38 =	vadd.f32 v45, v16;
	v35 =	vbroadcast v35, $0x0;
	[tilespmem:s5+$0x800] =	vst v39;
	v39 =	vcvt.f32.s32 v40;
	v36 =	vld.idx.msk [tilespmem:v36+s18+$0x0], $0xffff  }
0x1fd: {  	v26 =	vmul.f32 v26, v9;
	v44 =	vmul.f32 v21, v9;
	s1 =	sadd.s32 s6, s1;
	v40 =	vand.u32 $0x1FFF, v27;
	[tilespmem:s14+$0x870] =	vst v28;
	s14 =	smov.u32 s16;
	s16 =	smov.u32 s5  }
0x1fe: {  	v27 =	vtrunc.f32 v38;
	v28 =	vmul.f32 v21, v10;
	v38 =	vand.u32 $0x1FFF, v19;
	[tilespmem:s1+$0x800] =	vst v41;
	v19 =	vmovc v39  }
0x1ff: {  	v37 =	vcvt.f32.s32 v37;
	v27 =	vcvt.f32.s32 v27;
	v41 =	vadd.f32 v44, v17;
	v39 =	vld.idx.msk [tilespmem:v42+s18+$0x0], $0xffff;
	[tilespmem:s15+$0x870] =	vst v29;
	s15 =	smov.u32 s28;
	s28 =	smov.u32 s1  }
0x200: {  	v29 =	vadd.f32 v26, v17;
	v28 =	vadd.f32 v28, v18;
	v42 =	vand.u32 $0x1FFF, v24;
	v21 =	vld.idx.msk [tilespmem:v47+s21+$0x0], $0xffff  }
0x201: {  	v32 =	vand.u32 $0x1FFF, v32;
	v37 =	vand.u32 $0x1FFF, v37;
	v24 =	vtrunc.f32 v41;
	[tilespmem:s14+$0x840] =	vst v33  }
0x202: {  	v45 =	vand.u32 $0x1FFF, v22;
	v29 =	vtrunc.f32 v29;
	v24 =	vcvt.f32.s32 v24;
	v26 =	vld.idx.msk [tilespmem:v35+s21+$0x0], $0xffff;
	[tilespmem:s15+$0x840] =	vst v36  }
0x203: {  	v22 =	vtrunc.f32 v28;
	v28 =	vand.u32 $0x1FFF, v20;
	v20 =	vcvt.f32.s32 v29;
	v33 =	vld.idx.msk [tilespmem:v40+s18+$0x0], $0xffff  }
0x204: {  	v25 =	vadd.f32 v25, v18;
	v29 =	vtrunc.f32 v34;
	v22 =	vcvt.f32.s32 v22;
	v34 =	vld.idx.msk [tilespmem:v46+s18+$0x0], $0xffff  }
0x205: {  	v30 =	vadd.f32 v30, v15;
	v29 =	vcvt.f32.s32 v29;
	v40 =	vtrunc.f32 v23;
	v35 =	vld.idx.msk [tilespmem:v38+s18+$0x0], $0xffff  }
0x206: {  	v31 =	vand.u32 $0x1FFF, v31;
	v23 =	vmovc v25;
	v36 =	vmul.f32 v21, v3;
	v38 =	vcvt.f32.s32 v40;
	[tilespmem:s16+$0x810] =	vst v39  }
0x207: {  	v40 =	vmul.f32 v21, v5;
	v44 =	vand.u32 $0x1FFF, v29;
	v39 =	vmul.f32 v21, v4;
	v29 =	vld.idx.msk [tilespmem:v37+s18+$0x0], $0xffff  }
0x208: {  	v37 =	vmul.f32 v26, v3;
	v25 =	vmul.f32 v26, v10;
	v36 =	vadd.f32 v36, v11  }
0x209: {  	v41 =	vmul.f32 v26, v5;
	v46 =	vmul.f32 v26, v6;
	v39 =	vadd.f32 v39, v12;
	[tilespmem:s28+$0x810] =	vst v33  }
0x20a: {  	v33 =	vadd.f32 v37, v11;
	v36 =	vtrunc.f32 v36;
	v37 =	vmul.f32 v21, v6;
	v47 =	vld.idx.msk [tilespmem:v32+s18+$0x0], $0xffff;
	[tilespmem:s15+$0x850] =	vst v34  }
0x20b: {  	v32 =	vadd.f32 v41, v13;
	v34 =	vcvt.f32.s32 v36;
	v36 =	vadd.f32 v40, v13;
	v28 =	vld.idx.msk [tilespmem:v28+s18+$0x0], $0xffff;
	[tilespmem:s14+$0x850] =	vst v35  }
0x20c: {  	v30 =	vtrunc.f32 v30;
	v33 =	vtrunc.f32 v33;
	v40 =	vadd.f32 v37, v14;
	v48 =	vld.idx.msk [tilespmem:v42+s18+$0x0], $0xffff  }
0x20d: {  	v37 =	vcvt.f32.s32 v33;
	v32 =	vtrunc.f32 v32;
	v49 =	vand.u32 $0x1FFF, v34;
	[tilespmem:s16+$0x820] =	vst v29  }
0x20e: {  	v30 =	vcvt.f32.s32 v30;
	v33 =	vand.u32 $0x1FFF, v43;
	v29 =	vtrunc.f32 v39;
	v35 =	vld.idx.msk [tilespmem:v31+s18+$0x0], $0xffff  }
.Ltmp6:
0x20f: {  	v43 =	vmul.f32 v26, v4;
	v32 =	vcvt.f32.s32 v32;
	v41 =	vand.u32 $0x1FFF, v37;
	(pc) =	sbr.rel @p0 .LBB2_7-.Ltmp6, $4  }
0x210: {  	v42 =	vcvt.f32.s32 v29;
	v37 =	vtrunc.f32 v36;
	v29 =	vand.u32 $0x1FFF, v38;
	[tilespmem:s28+$0x820] =	vst v47  }
0x211: {  	v31 =	vtrunc.f32 v40;
	v40 =	vmul.f32 v21, v7;
	v36 =	vand.u32 $0x1FFF, v30;
	v38 =	vld.idx.msk [tilespmem:v44+s18+$0x0], $0xffff;
	[tilespmem:s15+$0x860] =	vst v28  }
0x212: {  	v34 =	vadd.f32 v46, v14;
	v30 =	vmul.f32 v26, v7;
	v31 =	vcvt.f32.s32 v31;
	v39 =	vld.idx.msk [tilespmem:v49+s18+$0x0], $0xffff;
	[tilespmem:s14+$0x860] =	vst v48  }
0x213: {  	s30 =	sadd.s32 $0x100, s30;
	v44 =	vadd.f32 v43, v12;
	v43 =	vadd.f32 v40, v15;
	v40 =	vmul.f32 v21, v8;
	v28 =	vld.idx.msk [tilespmem:v45+s18+$0x0], $0xffff  }
0x214: {  	_ =	sdelay $0x1  }
0x215: {  	v44 =	vtrunc.f32 v44  }
0x216: {  	v44 =	vcvt.f32.s32 v44  }
0x217: {  	v41 =	vld.idx.msk [tilespmem:v41+s18+$0x0], $0xffff;
	v42 =	vand.u32 $0x1FFF, v42;
	s1 =	sadd.s32 $0x400, s29  }
0x218: {  	s1 =	sand.u32 $0x7000, s1;
	v44 =	vand.u32 $0x1FFF, v44  }
0x219: {  	s5 =	sand.u32 $0x380, s30;
	s6 =	sadd.s32 $0xFFFFFF80, s30;
	s1 =	sadd.s32 $0x15E00, s1  }
0x21a: {  	s30 =	sand.u32 $0x300, s6;
	s29 =	sadd.s32 s5, s1  }
0x21b: {  	v37 =	vcvt.f32.s32 v37;
	s31 =	sadd.s32 s30, s1;
	[tilespmem:s29+$0x800] =	vst v39  }
0x21c: {  	[tilespmem:s31+$0x800] =	vst v41;
	v39 =	vld.idx.msk [tilespmem:v42+s18+$0x0], $0xffff  }
0x21d: {  	v37 =	vand.u32 $0x1FFF, v37;
	v41 =	vld.idx.msk [tilespmem:v44+s18+$0x0], $0xffff  }
0x21e: {  	v32 =	vand.u32 $0x1FFF, v32;
	_ =	sdelay $0x2  }
0x21f: {  	v34 =	vtrunc.f32 v34;
	[tilespmem:s29+$0x810] =	vst v39  }
0x220: {  	v34 =	vcvt.f32.s32 v34;
	v37 =	vld.idx.msk [tilespmem:v37+s18+$0x0], $0xffff;
	[tilespmem:s31+$0x810] =	vst v41  }
0x221: {  	v31 =	vand.u32 $0x1FFF, v31;
	v32 =	vld.idx.msk [tilespmem:v32+s18+$0x0], $0xffff  }
0x222: {  	v34 =	vand.u32 $0x1FFF, v34  }
0x223: {  	v30 =	vadd.f32 v30, v15  }
0x224: {  	v48 =	vtrunc.f32 v43  }
0x225: {  	v30 =	vtrunc.f32 v30;
	v39 =	vcvt.f32.s32 v48;
	[tilespmem:s29+$0x820] =	vst v37  }
0x226: {  	v30 =	vcvt.f32.s32 v30;
	v31 =	vld.idx.msk [tilespmem:v31+s18+$0x0], $0xffff;
	[tilespmem:s31+$0x820] =	vst v32  }
0x227: {  	v49 =	vmul.f32 v26, v8;
	v50 =	vand.u32 $0x1FFF, v39;
	v34 =	vld.idx.msk [tilespmem:v34+s18+$0x0], $0xffff  }
0x228: {  	v51 =	vadd.f32 v40, v16;
	v30 =	vand.u32 $0x1FFF, v30  }
0x229: {  	[tilespmem:s16+$0x830] =	vst v35;
	v32 =	vadd.f32 v49, v16  }
0x22a: {  	v33 =	vld.idx.msk [tilespmem:v33+s18+$0x0], $0xffff;
	[tilespmem:s28+$0x830] =	vst v38;
	v52 =	vtrunc.f32 v51  }
0x22b: {  	v19 =	vand.u32 $0x1FFF, v19;
	v36 =	vld.idx.msk [tilespmem:v36+s18+$0x0], $0xffff;
	v35 =	vcvt.f32.s32 v52;
	v32 =	vtrunc.f32 v32;
	[tilespmem:s29+$0x830] =	vst v31  }
0x22c: {  	v27 =	vand.u32 $0x1FFF, v27;
	v53 =	vmul.f32 v21, v9;
	v32 =	vcvt.f32.s32 v32;
	v54 =	vld.idx.msk [tilespmem:v50+s18+$0x0], $0xffff;
	[tilespmem:s31+$0x830] =	vst v34  }
0x22d: {  	v55 =	vmul.f32 v26, v9;
	v35 =	vand.u32 $0x1FFF, v35;
	v30 =	vld.idx.msk [tilespmem:v30+s18+$0x0], $0xffff  }
0x22e: {  	v31 =	vadd.f32 v53, v17;
	v32 =	vand.u32 $0x1FFF, v32  }
0x22f: {  	v26 =	vadd.f32 v55, v17;
	[tilespmem:s16+$0x840] =	vst v33  }
0x230: {  	v19 =	vld.idx.msk [tilespmem:v19+s18+$0x0], $0xffff;
	[tilespmem:s28+$0x840] =	vst v36;
	v31 =	vtrunc.f32 v31  }
0x231: {  	v24 =	vand.u32 $0x1FFF, v24;
	v26 =	vtrunc.f32 v26;
	v27 =	vld.idx.msk [tilespmem:v27+s18+$0x0], $0xffff;
	v31 =	vcvt.f32.s32 v31;
	[tilespmem:s29+$0x840] =	vst v54  }
0x232: {  	v56 =	vmul.f32 v21, v10;
	v20 =	vand.u32 $0x1FFF, v20;
	v26 =	vcvt.f32.s32 v26;
	v57 =	vld.idx.msk [tilespmem:v35+s18+$0x0], $0xffff;
	[tilespmem:s31+$0x840] =	vst v30  }
0x233: {  	v31 =	vand.u32 $0x1FFF, v31;
	v32 =	vld.idx.msk [tilespmem:v32+s18+$0x0], $0xffff  }
0x234: {  	v21 =	vadd.f32 v56, v18;
	v26 =	vand.u32 $0x1FFF, v26  }
0x235: {  	v25 =	vadd.f32 v25, v18;
	v23 =	vtrunc.f32 v23;
	[tilespmem:s16+$0x850] =	vst v19  }
0x236: {  	v58 =	vcvt.f32.s32 v23;
	v19 =	vtrunc.f32 v21;
	v59 =	vld.idx.msk [tilespmem:v24+s18+$0x0], $0xffff;
	[tilespmem:s28+$0x850] =	vst v27  }
0x237: {  	v22 =	vand.u32 $0x1FFF, v22;
	v60 =	vtrunc.f32 v25;
	v19 =	vcvt.f32.s32 v19;
	v20 =	vld.idx.msk [tilespmem:v20+s18+$0x0], $0xffff;
	[tilespmem:s29+$0x850] =	vst v57  }
0x238: {  	v21 =	vand.u32 $0x1FFF, v58;
	v24 =	vcvt.f32.s32 v60;
	v61 =	vld.idx.msk [tilespmem:v31+s18+$0x0], $0xffff;
	[tilespmem:s31+$0x850] =	vst v32  }
0x239: {  	v19 =	vand.u32 $0x1FFF, v19;
	v26 =	vld.idx.msk [tilespmem:v26+s18+$0x0], $0xffff  }
0x23a: {  	v24 =	vand.u32 $0x1FFF, v24  }
0x23b: {  	v62 =	vld.idx.msk [tilespmem:v29+s18+$0x0], $0xffff;
	[tilespmem:s16+$0x860] =	vst v59  }
0x23c: {  	[tilespmem:s28+$0x860] =	vst v20;
	v20 =	vld.idx.msk [tilespmem:v22+s18+$0x0], $0xffff  }
0x23d: {  	v21 =	vld.idx.msk [tilespmem:v21+s18+$0x0], $0xffff;
	[tilespmem:s29+$0x860] =	vst v61  }
0x23e: {  	v19 =	vld.idx.msk [tilespmem:v19+s18+$0x0], $0xffff;
	[tilespmem:s31+$0x860] =	vst v26  }
0x23f: {  	[tilespmem:s14+$0x870] =	vst v28;
	v63 =	vld.idx.msk [tilespmem:v24+s18+$0x0], $0xffff  }
0x240: {  	[tilespmem:s15+$0x870] =	vst v62  }
0x241: {  	[tilespmem:s16+$0x870] =	vst v20  }
0x242: {  	p0 =	seq.s32 s11, $0x7C;
	[tilespmem:s28+$0x870] =	vst v21  }
.Ltmp7:
0x243: {  	[tilespmem:s29+$0x870] =	vst v19;
	(pc) =	sbr.rel @p0 .LBB2_10-.Ltmp7, $4  }
0x244: {  	[tilespmem:s31+$0x870] =	vst v63  }
0x245: {  	_ =	swait.ge [sflag:s19], $0x5000  }
0x246: {  	[sflag:s19] =	ssyncset.done $0x0  }
0x247: {  	[sflag:s19] =	ssyncadd.s32 $0xFFFFB000  }
0x248: {  	v19 =	vld [tilespmem:s12+$0x7050];
	_ =	sdelay $0x4  }
0x249: {  	v20 =	vperm.xlane v19, v0;
	_ =	sdelay $0x1  }
0x24a: {  	v19 =	vperm.xlane v19, v2;
	v20 =	vadd.s32 v1, v20;
	_ =	sdelay $0x1  }
0x24b: {  	v19 =	vadd.s32 v1, v19;
	_ =	sdelay $0x2  }
0x24c: {  	[tilespmem:s26], [sflag:$0x1] =	stream.indirect_vreg.gather [hbm4b:s0+s9], $0x80, v20, vm0, $0xb8;
	[tilespmem:$0x1AE00] =	vst v63  }
0x24d: {  	s1 =	simm.s32 $0x11E00  }
0x24e: {  	[tilespmem:s1], [sflag:$0x1] =	stream.indirect_vreg.gather [hbm4b:s0+s9], $0x80, v19, vm0, $0xb8;
	[tilespmem:$0x1AE00] =	vst v63  }
0x24f: {  	v19 =	vld [tilespmem:s12+$0x7060];
	_ =	sdelay $0x4  }
0x250: {  	v20 =	vperm.xlane v19, v0;
	_ =	sdelay $0x1  }
0x251: {  	v19 =	vperm.xlane v19, v2;
	v20 =	vadd.s32 v1, v20;
	_ =	sdelay $0x1  }
0x252: {  	v19 =	vadd.s32 v1, v19;
	_ =	sdelay $0x1  }
0x253: {  	s28 =	simm.s32 $0x12E00  }
0x254: {  	[tilespmem:s28], [sflag:$0x1] =	stream.indirect_vreg.gather [hbm4b:s0+s9], $0x80, v20, vm0, $0xb8;
	[tilespmem:$0x1AE00] =	vst v63  }
0x255: {  	s29 =	simm.s32 $0x13E00  }
0x256: {  	[tilespmem:s29], [sflag:$0x1] =	stream.indirect_vreg.gather [hbm4b:s0+s9], $0x80, v19, vm0, $0xb8;
	[tilespmem:$0x1AE00] =	vst v63  }
0x257: {  	v19 =	vld.msk [tilespmem:s12+$0x7070], $0xff;
	_ =	sdelay $0x4  }
0x258: {  	v19 =	vperm.xlane v19, v0;
	_ =	sdelay $0x1  }
0x259: {  	v19 =	vadd.s32 v1, v19;
	_ =	sdelay $0x3  }
0x25a: {  	s30 =	simm.s32 $0x14E00  }
0x25b: {  	[tilespmem:s30], [sflag:$0x1] =	stream.indirect_vreg.gather [hbm4b:s0+s9], $0x80, v19, vm0, $0xb8;
	[tilespmem:$0x1AE00] =	vst v63  }
0x25c: {  	v19 =	vld [tilespmem:s12+$0x97D0];
	_ =	sdelay $0x4  }
0x25d: {  	v20 =	vperm.xlane v19, v0;
	_ =	sdelay $0x1  }
0x25e: {  	v19 =	vperm.xlane v19, v2;
	v20 =	vadd.s32 v1, v20;
	_ =	sdelay $0x1  }
0x25f: {  	v19 =	vadd.s32 v1, v19;
	_ =	sdelay $0x1  }
0x260: {  	s31 =	simm.s32 $0x11200  }
0x261: {  	[tilespmem:s31], [sflag:$0x2] =	stream.indirect_vreg.gather [hbm4b:s0+s9], $0x80, v20, vm0, $0xb8;
	[tilespmem:$0x1AE00] =	vst v63  }
0x262: {  	s5 =	simm.s32 $0x12200  }
0x263: {  	[tilespmem:s5], [sflag:$0x2] =	stream.indirect_vreg.gather [hbm4b:s0+s9], $0x80, v19, vm0, $0xb8;
	[tilespmem:$0x1AE00] =	vst v63  }
0x264: {  	v19 =	vld [tilespmem:s12+$0x97E0];
	_ =	sdelay $0x4  }
0x265: {  	v20 =	vperm.xlane v19, v0;
	_ =	sdelay $0x1  }
0x266: {  	v19 =	vperm.xlane v19, v2;
	v20 =	vadd.s32 v1, v20;
	_ =	sdelay $0x1  }
0x267: {  	v19 =	vadd.s32 v1, v19;
	_ =	sdelay $0x1  }
0x268: {  	s6 =	simm.s32 $0x13200  }
0x269: {  	[tilespmem:s6], [sflag:$0x2] =	stream.indirect_vreg.gather [hbm4b:s0+s9], $0x80, v20, vm0, $0xb8;
	[tilespmem:$0x1AE00] =	vst v63  }
0x26a: {  	s14 =	simm.s32 $0x14200  }
0x26b: {  	[tilespmem:s14], [sflag:$0x2] =	stream.indirect_vreg.gather [hbm4b:s0+s9], $0x80, v19, vm0, $0xb8;
	[tilespmem:$0x1AE00] =	vst v63  }
0x26c: {  	v19 =	vld.msk [tilespmem:s12+$0x97F0], $0xff;
	_ =	sdelay $0x4  }
0x26d: {  	v19 =	vperm.xlane v19, v0;
	_ =	sdelay $0x1  }
0x26e: {  	v19 =	vadd.s32 v1, v19;
	_ =	sdelay $0x3  }
0x26f: {  	s15 =	simm.s32 $0x15200  }
0x270: {  	[tilespmem:s15], [sflag:$0x2] =	stream.indirect_vreg.gather [hbm4b:s0+s9], $0x80, v19, vm0, $0xb8;
	[tilespmem:$0x1AE00] =	vst v63  }
0x271: {  	v19 =	vld [tilespmem:s12+$0xBF50];
	_ =	sdelay $0x4  }
0x272: {  	v20 =	vperm.xlane v19, v0;
	_ =	sdelay $0x1  }
0x273: {  	v19 =	vperm.xlane v19, v2;
	v20 =	vadd.s32 v1, v20;
	_ =	sdelay $0x1  }
0x274: {  	v19 =	vadd.s32 v1, v19;
	_ =	sdelay $0x1  }
0x275: {  	s16 =	simm.s32 $0x11A00  }
0x276: {  	[tilespmem:s16], [sflag:$0x3] =	stream.indirect_vreg.gather [hbm4b:s2+s9], $0x80, v20, vm0, $0xb8;
	[tilespmem:$0x1AE00] =	vst v63  }
0x277: {  	s28 =	simm.s32 $0x12A00  }
0x278: {  	[tilespmem:s28], [sflag:$0x3] =	stream.indirect_vreg.gather [hbm4b:s2+s9], $0x80, v19, vm0, $0xb8;
	[tilespmem:$0x1AE00] =	vst v63  }
0x279: {  	v19 =	vld [tilespmem:s12+$0xBF60];
	_ =	sdelay $0x4  }
0x27a: {  	v20 =	vperm.xlane v19, v0;
	_ =	sdelay $0x1  }
0x27b: {  	v19 =	vperm.xlane v19, v2;
	v20 =	vadd.s32 v1, v20;
	_ =	sdelay $0x1  }
0x27c: {  	v19 =	vadd.s32 v1, v19;
	_ =	sdelay $0x1  }
0x27d: {  	s29 =	simm.s32 $0x13A00  }
0x27e: {  	[tilespmem:s29], [sflag:$0x3] =	stream.indirect_vreg.gather [hbm4b:s2+s9], $0x80, v20, vm0, $0xb8;
	[tilespmem:$0x1AE00] =	vst v63  }
0x27f: {  	s30 =	simm.s32 $0x14A00  }
0x280: {  	[tilespmem:s30], [sflag:$0x3] =	stream.indirect_vreg.gather [hbm4b:s2+s9], $0x80, v19, vm0, $0xb8;
	[tilespmem:$0x1AE00] =	vst v63  }
0x281: {  	v19 =	vld.msk [tilespmem:s12+$0xBF70], $0xff;
	_ =	sdelay $0x4  }
0x282: {  	v19 =	vperm.xlane v19, v0;
	_ =	sdelay $0x1  }
0x283: {  	v19 =	vadd.s32 v1, v19  }
.Ltmp8:
0x284: {  	_ = 	snop;
	(pc) =	sbr.rel .LBB2_10-.Ltmp8, $3  }
0x285: {  	_ =	sdelay $0x1  }
0x286: {  	s31 =	simm.s32 $0x15A00  }
0x287: {  	[tilespmem:s31], [sflag:$0x3] =	stream.indirect_vreg.gather [hbm4b:s2+s9], $0x80, v19, vm0, $0xb8;
	[tilespmem:$0x1AE00] =	vst v63  }
.LBB2_12:
0x288: {  	_ =	sfence.sel $0x180000  }
0x289: {  	[bflag:$0x0] =	sbarrier.arrive $0xFFFF  }
0x28a: {  	_ =	strace $0x90000047  }
0x28b: {  	s0 =	stileid.u32;
	[bflag:$0x2] =	sbarrier.arrive $0xFFFF  }
0x28c: {  	p0 =	sne.s32 s0, $0x0;
	s0 =	rddreg [dreg:$0xc]  }
0x28d: {  	s0 =	sadd.s32 @!p0 $0x100000, s0  }
0x28e: {  	[sflag:s0] =	ssyncadd.tile.s32 @!p0 $0x1;
	_ =	shalt  }
.Lfunc_end2:
_tile_overlayer_lowered:
.L_overlay_start_2:
0x28f: {  	(tag) =	ssettag $0x2  }
0x290: {  	s0 =	rddreg [dreg:$0x0];
	s2 =	stileid.u32  }
0x291: {  	s1 =	rddreg [dreg:$0x1];
	p0 =	sne.s32 s2, $0x0  }
0x292: {  	s3 =	rddreg [dreg:$0x2];
	[bflag:$0x3] =	sbarrier.arrive $0xFFFF;
	s2 =	simm.s32 @!p0 $0x1C09  }
0x293: {  	[timem:s3], [sflag:s2] =	dma.local @!p0 [hbm:s0], s1  }
0x294: {  	s0 =	simm.s32 @!p0 $0x9  }
0x295: {  	_ =	swait.ge @!p0 [sflag:s0], s1  }
0x296: {  	s1 =	ssub.s32 @!p0 $0x0, s1;
	[sflag:s0] =	ssyncset.done @!p0 $0x0  }
0x297: {  	[sflag:s0] =	ssyncadd.s32 @!p0 s1  }
0x298: {  	[bflag:$0x3] =	sbarrier.arrive $0xFFFF  }
0x299: {  	_ =	shalt  }

</sc_bundles>
